<compile_context>
chip_gen: v7x
topology: tpu7x:2x2x1
jax: 0.10.2.dev20260603
libtpu: 0.0.44.dev20260713+nightly
codegen_flags: <defaults>
</compile_context>

<pallas_src>
import functools

import jax
import jax.numpy as jnp
from jax import lax
from jax.experimental import pallas as pl
from jax.experimental.pallas import tpu as pltpu
from jax.experimental.pallas import tpu_sc as plsc

N = 10000
E = 320000
D = 128
NC, NS = 2, 16
NW = NC * NS
RPT = 632
NPAD = NS * RPT
NDEG = 10016
K = 128
NCHUNK = 79
EPAD = NW * NCHUNK * K
PADSRC = 10008


def _normalize_body(f_ref, out_ref):
    f = f_ref[...]
    norm = jnp.sqrt(jnp.sum(f * f, axis=1, keepdims=True))
    out_ref[...] = f / jnp.maximum(norm, 1e-12)


def _hist_body(src_hbm, deg_hbm, idx_s, deg_v, sem):
    cid = lax.axis_index("c")
    sid = lax.axis_index("s")
    wid = sid * NC + cid

    pltpu.async_copy(src_hbm.at[wid], idx_s, sem)

    zero16 = jnp.zeros((16,), jnp.float32)

    def zbody(i, _):
        deg_v[pl.ds(i * 16, 16)] = zero16
        return ()

    lax.fori_loop(0, NDEG // 16, zbody, ())
    pltpu.make_async_copy(src_hbm.at[wid], idx_s, sem).wait()

    ones16 = jnp.ones((16,), jnp.float32)

    def body(c, _):
        for j in range(K // 16):
            idx = idx_s[c, pl.ds(j * 16, 16)]
            plsc.addupdate_scatter(deg_v, [idx], ones16)
        return ()

    lax.fori_loop(0, NCHUNK, body, ())
    pltpu.sync_copy(deg_v, deg_hbm.at[wid])


def _spmm_body(fnorm_hbm, src_hbm, dst_hbm, zeros_hbm, out_hbm,
               idx_d, srcA, srcB, rows0, rows1, acc,
               sem0, sem1, semA, semB):
    cid = lax.axis_index("c")
    sid = lax.axis_index("s")
    wid = sid * NC + cid

    pltpu.async_copy(dst_hbm.at[wid], idx_d, sem0)
    pltpu.async_copy(src_hbm.at[wid].at[pl.ds(0, 1)], srcA, semA)
    pltpu.async_copy(src_hbm.at[wid].at[pl.ds(1, 1)], srcB, semB)
    pltpu.sync_copy(zeros_hbm.at[pl.ds(sid * RPT, RPT)],
                    acc.at[pl.ds(sid * RPT, RPT)])
    pltpu.make_async_copy(dst_hbm.at[wid], idx_d, sem0).wait()
    plsc.subcore_barrier()

    def gather(c, rows, sem):
        pltpu.async_copy(fnorm_hbm.at[idx_d.at[c]], rows, sem)

    def gwait(c, rows, sem):
        pltpu.make_async_copy(fnorm_hbm.at[idx_d.at[c]], rows, sem).wait()

    def srcload(buf, c, sem):
        pltpu.async_copy(src_hbm.at[wid].at[pl.ds(c, 1)], buf, sem)

    def srcwait(buf, c, sem):
        pltpu.make_async_copy(src_hbm.at[wid].at[pl.ds(c, 1)], buf,
                              sem).wait()

    def scat(buf, rows):
        pltpu.sync_copy(rows, acc.at[buf.at[0]], add=True)

    gather(0, rows0, sem0)
    last = NCHUNK - 1

    def body(p, _):
        c = 2 * p
        gather(c + 1, rows1, sem1)
        gwait(c, rows0, sem0)
        srcwait(srcA, c, semA)
        scat(srcA, rows0)
        srcload(srcA, jnp.minimum(c + 2, last), semA)
        gather(c + 2, rows0, sem0)
        gwait(c + 1, rows1, sem1)
        srcwait(srcB, c + 1, semB)
        scat(srcB, rows1)
        srcload(srcB, jnp.minimum(c + 3, last), semB)
        return ()

    lax.fori_loop(0, (NCHUNK - 1) // 2, body, ())
    gwait(last, rows0, sem0)
    srcwait(srcA, last, semA)
    scat(srcA, rows0)
    srcwait(srcB, last, semB)

    plsc.subcore_barrier()
    pltpu.sync_copy(acc.at[pl.ds(sid * RPT, RPT)],
                    out_hbm.at[cid].at[pl.ds(sid * RPT, RPT)])


def _finish_body(part_ref, deg_ref, fnorm_ref, out_ref):
    acc = part_ref[0] + part_ref[1]
    s = acc[:N, :]
    fn = fnorm_ref[...]
    sim = jnp.sum(fn * s, axis=1, keepdims=True)
    deg = lax.dot_general(deg_ref[...], jnp.ones((NW, 1), jnp.float32),
                          (((0,), (0,)), ((), ())),
                          preferred_element_type=jnp.float32,
                          precision=lax.Precision.HIGHEST)
    deg = deg[:N, :]
    deg = jnp.where(deg == 0.0, 1.0, deg)
    score = (sim / deg + 1.0) * 0.5
    out_ref[...] = jnp.clip(score, 0.0, 1.0)


def kernel(features, edge_index):
    fnorm = pl.pallas_call(
        _normalize_body,
        out_shape=jax.ShapeDtypeStruct((N, D), jnp.float32),
    )(features)

    pad = EPAD - E
    src3 = jnp.concatenate(
        [edge_index[0], jnp.full((pad,), PADSRC, jnp.int32)]
    ).reshape(NW, NCHUNK, K)
    dst3 = jnp.concatenate(
        [edge_index[1], jnp.zeros((pad,), jnp.int32)]
    ).reshape(NW, NCHUNK, K)
    zeros = jnp.zeros((NPAD, D), jnp.float32)

    mesh = plsc.VectorSubcoreMesh(core_axis_name="c", subcore_axis_name="s")

    hist = functools.partial(
        pl.kernel,
        out_type=jax.ShapeDtypeStruct((NW, NDEG), jnp.float32),
        mesh=mesh,
        compiler_params=pltpu.CompilerParams(needs_layout_passes=False),
        scratch_types=[
            pltpu.VMEM((NCHUNK, K), jnp.int32),
            pltpu.VMEM((NDEG,), jnp.float32),
            pltpu.SemaphoreType.DMA,
        ],
    )(_hist_body)
    deg_part = hist(src3)

    spmm = functools.partial(
        pl.kernel,
        out_type=jax.ShapeDtypeStruct((NC, NPAD, D), jnp.float32),
        mesh=mesh,
        compiler_params=pltpu.CompilerParams(needs_layout_passes=False),
        scratch_types=[
            pltpu.VMEM((NCHUNK, K), jnp.int32),
            pltpu.VMEM((1, K), jnp.int32),
            pltpu.VMEM((1, K), jnp.int32),
            pltpu.VMEM((K, D), jnp.float32),
            pltpu.VMEM((K, D), jnp.float32),
            pltpu.VMEM_SHARED((NPAD, D), jnp.float32),
            pltpu.SemaphoreType.DMA,
            pltpu.SemaphoreType.DMA,
            pltpu.SemaphoreType.DMA,
            pltpu.SemaphoreType.DMA,
        ],
    )(_spmm_body)
    partials = spmm(fnorm, src3, dst3, zeros)

    scores = pl.pallas_call(
        _finish_body,
        out_shape=jax.ShapeDtypeStruct((N, 1), jnp.float32),
    )(partials, deg_part, fnorm)
    return scores[:, 0]

# --- scband reference (transcript-rebuilt; emitter-appended) ---
"""Pipeline reference for scband-node-homophily-computer-87900800680592 (READ-ONLY COPY).

The authoritative reference and input builder live on the scoring server;
editing this copy changes nothing except your own understanding.
"""

import jax, jax.numpy as jnp
import numpy as np

N_NODES = 10000
N_EDGES = 320000
D_FEAT = 128


def setup_inputs(seed: int = 0) -> dict:
    key = jax.random.key(seed)
    k1, k2 = jax.random.split(key)
    features = jax.random.normal(k1, (N_NODES, D_FEAT), dtype=jnp.float32)
    edge_index = jax.random.randint(k2, (2, N_EDGES), 0, N_NODES, dtype=jnp.int32)
    return {"features": features, "edge_index": edge_index}


def reference(features, edge_index):
    # edge (i, j): row i (message destination/aggregator in adj_norm @ F), col j (source feature)
    src = edge_index[0]
    dst = edge_index[1]
    # degree = row sums of binary adjacency; zeros -> 1 (matches torch setup)
    deg = jax.ops.segment_sum(jnp.ones(src.shape[0], dtype=features.dtype), src,
                              num_segments=N_NODES)
    deg = jnp.where(deg == 0, 1.0, deg)
    # F.normalize(features, p=2, dim=1) with eps=1e-12
    norm = jnp.linalg.norm(features, axis=1, keepdims=True)
    features_norm = features / jnp.maximum(norm, 1e-12)
    # neighbor_features = D^{-1} A @ features_norm  (row-normalized spmm)
    msgs = jnp.take(features_norm, dst, axis=0) / deg[src][:, None]
    neighbor_features = jax.ops.segment_sum(msgs, src, num_segments=N_NODES)
    similarity = jnp.sum(features_norm * neighbor_features, axis=1)
    homophily_scores = (similarity + 1.0) / 2.0
    homophily_scores = jnp.clip(homophily_scores, 0.0, 1.0)
    return homophily_scores

if __name__ == "__main__":
    import jax
    _d = setup_inputs()
    print(jax.jit(kernel)(*tuple(_d.values())))

</pallas_src>

<mosaic_0001>
#map = affine_map<(d0, d1) -> (0, 0)>
#map1 = affine_map<(d0, d1) -> (0, 0, 0)>
module attributes {stable_mosaic.version = 14 : i64} {
  func.func @_spmm_body(%arg0: i32, %arg1: i32, %arg2: memref<10000x128xf32, #tpu.memory_space<hbm>>, %arg3: memref<32x79x128xi32, #tpu.memory_space<hbm>>, %arg4: memref<32x79x128xi32, #tpu.memory_space<hbm>>, %arg5: memref<10112x128xf32, #tpu.memory_space<hbm>>, %arg6: memref<2x10112x128xf32, #tpu.memory_space<hbm>>, %arg7: memref<79x128xi32, #tpu.memory_space<vmem>>, %arg8: memref<1x128xi32, #tpu.memory_space<vmem>>, %arg9: memref<1x128xi32, #tpu.memory_space<vmem>>, %arg10: memref<128x128xf32, #tpu.memory_space<vmem>>, %arg11: memref<128x128xf32, #tpu.memory_space<vmem>>, %arg12: memref<10112x128xf32, #tpu.memory_space<vmem_shared>>, %arg13: memref<!tpu.dma_semaphore, #tpu.memory_space<semaphore_mem>>, %arg14: memref<!tpu.dma_semaphore, #tpu.memory_space<semaphore_mem>>, %arg15: memref<!tpu.dma_semaphore, #tpu.memory_space<semaphore_mem>>, %arg16: memref<!tpu.dma_semaphore, #tpu.memory_space<semaphore_mem>>) attributes {dimension_semantics = [#tpu.dimension_semantics<core_parallel>, #tpu.dimension_semantics<subcore_parallel>], iteration_bounds = array<i64: 2, 16>, scalar_prefetch = 0 : i64, scratch_operands = 10 : i64, tpu.core_type = #tpu.core_type<sc_vector_subcore>, window_params = [{transform_indices = #map}, {transform_indices = #map1}, {transform_indices = #map1}, {transform_indices = #map}, {transform_indices = #map1}]} {
    %mul3A = arith.constant 2 : i32
    %mul3A_0 = arith.muli %arg1, %mul3A : i32
    %add3A = arith.addi %mul3A_0, %arg0 : i32
    %dma_start3A = arith.constant 0 : i32
    %dma_start3A_1 = arith.constant 0 : i32
    %dma_start3A_2 = tpu.memref_slice %arg4[%add3A, %dma_start3A, %dma_start3A_1] : memref<32x79x128xi32, #tpu.memory_space<hbm>> -> memref<1x79x128xi32, #tpu.memory_space<hbm>>
    %dma_start3A_3 = tpu.memref_squeeze %dma_start3A_2 : memref<1x79x128xi32, #tpu.memory_space<hbm>> -> memref<79x128xi32, #tpu.memory_space<hbm>>
    %dma_start3A_4 = arith.constant 0 : i32
    %dma_start3A_5 = arith.constant 0 : i32
    %dma_start3A_6 = tpu.memref_slice %arg4[%add3A, %dma_start3A_4, %dma_start3A_5] : memref<32x79x128xi32, #tpu.memory_space<hbm>> -> memref<1x79x128xi32, #tpu.memory_space<hbm>>
    %dma_start3A_7 = tpu.memref_squeeze %dma_start3A_6 : memref<1x79x128xi32, #tpu.memory_space<hbm>> -> memref<79x128xi32, #tpu.memory_space<hbm>>
    tpu.enqueue_dma source(%dma_start3A_7 : memref<79x128xi32, #tpu.memory_space<hbm>>) target(%arg7 : memref<79x128xi32, #tpu.memory_space<vmem>>) target_semaphore(%arg13 : memref<!tpu.dma_semaphore, #tpu.memory_space<semaphore_mem>>)
    %dma_start3A_8 = arith.constant 0 : i32
    %dma_start3A_9 = arith.constant 0 : i32
    %dma_start3A_10 = tpu.memref_slice %arg3[%add3A, %dma_start3A_8, %dma_start3A_9] : memref<32x79x128xi32, #tpu.memory_space<hbm>> -> memref<1x79x128xi32, #tpu.memory_space<hbm>>
    %dma_start3A_11 = tpu.memref_squeeze %dma_start3A_10 : memref<1x79x128xi32, #tpu.memory_space<hbm>> -> memref<79x128xi32, #tpu.memory_space<hbm>>
    %dma_start3A_12 = arith.constant 0 : i32
    %dma_start3A_13 = arith.constant 0 : i32
    %dma_start3A_14 = tpu.memref_slice %dma_start3A_11[%dma_start3A_12, %dma_start3A_13] : memref<79x128xi32, #tpu.memory_space<hbm>> -> memref<1x128xi32, #tpu.memory_space<hbm>>
    %dma_start3A_15 = arith.constant 0 : i32
    %dma_start3A_16 = arith.constant 0 : i32
    %dma_start3A_17 = tpu.memref_slice %arg3[%add3A, %dma_start3A_15, %dma_start3A_16] : memref<32x79x128xi32, #tpu.memory_space<hbm>> -> memref<1x79x128xi32, #tpu.memory_space<hbm>>
    %dma_start3A_18 = tpu.memref_squeeze %dma_start3A_17 : memref<1x79x128xi32, #tpu.memory_space<hbm>> -> memref<79x128xi32, #tpu.memory_space<hbm>>
    %dma_start3A_19 = arith.constant 0 : i32
    %dma_start3A_20 = arith.constant 0 : i32
    %dma_start3A_21 = tpu.memref_slice %dma_start3A_18[%dma_start3A_19, %dma_start3A_20] : memref<79x128xi32, #tpu.memory_space<hbm>> -> memref<1x128xi32, #tpu.memory_space<hbm>>
    tpu.enqueue_dma source(%dma_start3A_21 : memref<1x128xi32, #tpu.memory_space<hbm>>) target(%arg8 : memref<1x128xi32, #tpu.memory_space<vmem>>) target_semaphore(%arg15 : memref<!tpu.dma_semaphore, #tpu.memory_space<semaphore_mem>>)
    %dma_start3A_22 = arith.constant 0 : i32
    %dma_start3A_23 = arith.constant 0 : i32
    %dma_start3A_24 = tpu.memref_slice %arg3[%add3A, %dma_start3A_22, %dma_start3A_23] : memref<32x79x128xi32, #tpu.memory_space<hbm>> -> memref<1x79x128xi32, #tpu.memory_space<hbm>>
    %dma_start3A_25 = tpu.memref_squeeze %dma_start3A_24 : memref<1x79x128xi32, #tpu.memory_space<hbm>> -> memref<79x128xi32, #tpu.memory_space<hbm>>
    %dma_start3A_26 = arith.constant 1 : i32
    %dma_start3A_27 = arith.constant 0 : i32
    %dma_start3A_28 = tpu.memref_slice %dma_start3A_25[%dma_start3A_26, %dma_start3A_27] : memref<79x128xi32, #tpu.memory_space<hbm>> -> memref<1x128xi32, #tpu.memory_space<hbm>>
    %dma_start3A_29 = arith.constant 0 : i32
    %dma_start3A_30 = arith.constant 0 : i32
    %dma_start3A_31 = tpu.memref_slice %arg3[%add3A, %dma_start3A_29, %dma_start3A_30] : memref<32x79x128xi32, #tpu.memory_space<hbm>> -> memref<1x79x128xi32, #tpu.memory_space<hbm>>
    %dma_start3A_32 = tpu.memref_squeeze %dma_start3A_31 : memref<1x79x128xi32, #tpu.memory_space<hbm>> -> memref<79x128xi32, #tpu.memory_space<hbm>>
    %dma_start3A_33 = arith.constant 1 : i32
    %dma_start3A_34 = arith.constant 0 : i32
    %dma_start3A_35 = tpu.memref_slice %dma_start3A_32[%dma_start3A_33, %dma_start3A_34] : memref<79x128xi32, #tpu.memory_space<hbm>> -> memref<1x128xi32, #tpu.memory_space<hbm>>
    tpu.enqueue_dma source(%dma_start3A_35 : memref<1x128xi32, #tpu.memory_space<hbm>>) target(%arg9 : memref<1x128xi32, #tpu.memory_space<vmem>>) target_semaphore(%arg16 : memref<!tpu.dma_semaphore, #tpu.memory_space<semaphore_mem>>)
    %mul3A_36 = arith.constant 632 : i32
    %mul3A_37 = arith.muli %arg1, %mul3A_36 : i32
    %mul3A_38 = arith.constant 632 : i32
    %mul3A_39 = arith.muli %arg1, %mul3A_38 : i32
    "tpu.region"() ({
      %run_scoped3A_98 = tpu.sem_alloc : memref<!tpu.dma_semaphore, #tpu.memory_space<semaphore_mem>>
      %dma_start3A_99 = arith.constant 0 : i32
      %dma_start3A_100 = tpu.memref_slice %arg12[%mul3A_39, %dma_start3A_99] : memref<10112x128xf32, #tpu.memory_space<vmem_shared>> -> memref<632x128xf32, #tpu.memory_space<vmem_shared>>
      %dma_start3A_101 = arith.constant 0 : i32
      %dma_start3A_102 = tpu.memref_slice %arg5[%mul3A_37, %dma_start3A_101] : memref<10112x128xf32, #tpu.memory_space<hbm>> -> memref<632x128xf32, #tpu.memory_space<hbm>>
      tpu.enqueue_dma source(%dma_start3A_102 : memref<632x128xf32, #tpu.memory_space<hbm>>) target(%dma_start3A_100 : memref<632x128xf32, #tpu.memory_space<vmem_shared>>) target_semaphore(%run_scoped3A_98 : memref<!tpu.dma_semaphore, #tpu.memory_space<semaphore_mem>>)
      %dma_wait3A_103 = arith.constant 0 : i32
      %dma_wait3A_104 = tpu.memref_slice %arg12[%mul3A_39, %dma_wait3A_103] : memref<10112x128xf32, #tpu.memory_space<vmem_shared>> -> memref<632x128xf32, #tpu.memory_space<vmem_shared>>
      %dma_wait3A_105 = arith.constant 0 : i32
      %dma_wait3A_106 = tpu.memref_slice %arg5[%mul3A_37, %dma_wait3A_105] : memref<10112x128xf32, #tpu.memory_space<hbm>> -> memref<632x128xf32, #tpu.memory_space<hbm>>
      tpu.wait_dma2 semaphore(%run_scoped3A_98 : memref<!tpu.dma_semaphore, #tpu.memory_space<semaphore_mem>>) src(%dma_wait3A_106 : memref<632x128xf32, #tpu.memory_space<hbm>>) dst(%dma_wait3A_104 : memref<632x128xf32, #tpu.memory_space<vmem_shared>>)
      tpu.yield
    }) : () -> ()
    %dma_wait3A = arith.constant 0 : i32
    %dma_wait3A_40 = arith.constant 0 : i32
    %dma_wait3A_41 = tpu.memref_slice %arg4[%add3A, %dma_wait3A, %dma_wait3A_40] : memref<32x79x128xi32, #tpu.memory_space<hbm>> -> memref<1x79x128xi32, #tpu.memory_space<hbm>>
    %dma_wait3A_42 = tpu.memref_squeeze %dma_wait3A_41 : memref<1x79x128xi32, #tpu.memory_space<hbm>> -> memref<79x128xi32, #tpu.memory_space<hbm>>
    %dma_wait3A_43 = arith.constant 0 : i32
    %dma_wait3A_44 = arith.constant 0 : i32
    %dma_wait3A_45 = tpu.memref_slice %arg4[%add3A, %dma_wait3A_43, %dma_wait3A_44] : memref<32x79x128xi32, #tpu.memory_space<hbm>> -> memref<1x79x128xi32, #tpu.memory_space<hbm>>
    %dma_wait3A_46 = tpu.memref_squeeze %dma_wait3A_45 : memref<1x79x128xi32, #tpu.memory_space<hbm>> -> memref<79x128xi32, #tpu.memory_space<hbm>>
    tpu.wait_dma2 semaphore(%arg13 : memref<!tpu.dma_semaphore, #tpu.memory_space<semaphore_mem>>) src(%dma_wait3A_46 : memref<79x128xi32, #tpu.memory_space<hbm>>) dst(%arg7 : memref<79x128xi32, #tpu.memory_space<vmem>>)
    %barrier3A = arith.constant 0 : index
    tpu.barrier barrier_id(%barrier3A)
    %dma_start3A_47 = arith.constant 0 : i32
    %dma_start3A_48 = arith.constant 0 : i32
    %dma_start3A_49 = tpu.memref_slice %arg7[%dma_start3A_47, %dma_start3A_48] : memref<79x128xi32, #tpu.memory_space<vmem>> -> memref<1x128xi32, #tpu.memory_space<vmem>>
    %dma_start3A_50 = tpu.memref_squeeze %dma_start3A_49 : memref<1x128xi32, #tpu.memory_space<vmem>> -> memref<128xi32, #tpu.memory_space<vmem>>
    %dma_start3A_51 = arith.constant 0 : i32
    %dma_start3A_52 = arith.constant 0 : i32
    %dma_start3A_53 = tpu.memref_slice %arg2[%dma_start3A_51, %dma_start3A_52] : memref<10000x128xf32, #tpu.memory_space<hbm>> -> memref<10000x128xf32, #tpu.memory_space<hbm>>
    tpu.enqueue_indirect_dma source(%dma_start3A_53 : memref<10000x128xf32, #tpu.memory_space<hbm>>) target(%arg10 : memref<128x128xf32, #tpu.memory_space<vmem>>) offsets(%dma_start3A_50 : memref<128xi32, #tpu.memory_space<vmem>>) semaphore(%arg13 : memref<!tpu.dma_semaphore, #tpu.memory_space<semaphore_mem>>)
    %scan3A = arith.constant 0 : i32
    %scan3A_54 = arith.constant 39 : i32
    %scan3A_55 = arith.addi %scan3A, %scan3A_54 : i32
    %scan3A_56 = arith.constant 1 : i32
    scf.for %scan3A_98 = %scan3A to %scan3A_55 step %scan3A_56  : i32 {
      %mul3A_99 = arith.constant 2 : i32
      %mul3A_100 = arith.muli %mul3A_99, %scan3A_98 : i32
      %add3A_101 = arith.constant 1 : i32
      %add3A_102 = arith.addi %mul3A_100, %add3A_101 : i32
      %dma_start3A_103 = arith.constant 0 : i32
      %dma_start3A_104 = tpu.memref_slice %arg7[%add3A_102, %dma_start3A_103] : memref<79x128xi32, #tpu.memory_space<vmem>> -> memref<1x128xi32, #tpu.memory_space<vmem>>
      %dma_start3A_105 = tpu.memref_squeeze %dma_start3A_104 : memref<1x128xi32, #tpu.memory_space<vmem>> -> memref<128xi32, #tpu.memory_space<vmem>>
      %dma_start3A_106 = arith.constant 0 : i32
      %dma_start3A_107 = arith.constant 0 : i32
      %dma_start3A_108 = tpu.memref_slice %arg2[%dma_start3A_106, %dma_start3A_107] : memref<10000x128xf32, #tpu.memory_space<hbm>> -> memref<10000x128xf32, #tpu.memory_space<hbm>>
      tpu.enqueue_indirect_dma source(%dma_start3A_108 : memref<10000x128xf32, #tpu.memory_space<hbm>>) target(%arg11 : memref<128x128xf32, #tpu.memory_space<vmem>>) offsets(%dma_start3A_105 : memref<128xi32, #tpu.memory_space<vmem>>) semaphore(%arg14 : memref<!tpu.dma_semaphore, #tpu.memory_space<semaphore_mem>>)
      %dma_wait3A_109 = arith.constant 0 : i32
      %dma_wait3A_110 = tpu.memref_slice %arg7[%mul3A_100, %dma_wait3A_109] : memref<79x128xi32, #tpu.memory_space<vmem>> -> memref<1x128xi32, #tpu.memory_space<vmem>>
      %dma_wait3A_111 = tpu.memref_squeeze %dma_wait3A_110 : memref<1x128xi32, #tpu.memory_space<vmem>> -> memref<128xi32, #tpu.memory_space<vmem>>
      %dma_wait3A_112 = arith.constant 0 : i32
      %dma_wait3A_113 = arith.constant 0 : i32
      %dma_wait3A_114 = tpu.memref_slice %arg2[%dma_wait3A_112, %dma_wait3A_113] : memref<10000x128xf32, #tpu.memory_space<hbm>> -> memref<10000x128xf32, #tpu.memory_space<hbm>>
      tpu.wait_indirect_dma semaphore(%arg13 : memref<!tpu.dma_semaphore, #tpu.memory_space<semaphore_mem>>) src(%dma_wait3A_114 : memref<10000x128xf32, #tpu.memory_space<hbm>>) dst(%arg10 : memref<128x128xf32, #tpu.memory_space<vmem>>)
      %dma_wait3A_115 = arith.constant 0 : i32
      %dma_wait3A_116 = arith.constant 0 : i32
      %dma_wait3A_117 = tpu.memref_slice %arg3[%add3A, %dma_wait3A_115, %dma_wait3A_116] : memref<32x79x128xi32, #tpu.memory_space<hbm>> -> memref<1x79x128xi32, #tpu.memory_space<hbm>>
      %dma_wait3A_118 = tpu.memref_squeeze %dma_wait3A_117 : memref<1x79x128xi32, #tpu.memory_space<hbm>> -> memref<79x128xi32, #tpu.memory_space<hbm>>
      %dma_wait3A_119 = arith.constant 0 : i32
      %dma_wait3A_120 = tpu.memref_slice %dma_wait3A_118[%mul3A_100, %dma_wait3A_119] : memref<79x128xi32, #tpu.memory_space<hbm>> -> memref<1x128xi32, #tpu.memory_space<hbm>>
      %dma_wait3A_121 = arith.constant 0 : i32
      %dma_wait3A_122 = arith.constant 0 : i32
      %dma_wait3A_123 = tpu.memref_slice %arg3[%add3A, %dma_wait3A_121, %dma_wait3A_122] : memref<32x79x128xi32, #tpu.memory_space<hbm>> -> memref<1x79x128xi32, #tpu.memory_space<hbm>>
      %dma_wait3A_124 = tpu.memref_squeeze %dma_wait3A_123 : memref<1x79x128xi32, #tpu.memory_space<hbm>> -> memref<79x128xi32, #tpu.memory_space<hbm>>
      %dma_wait3A_125 = arith.constant 0 : i32
      %dma_wait3A_126 = tpu.memref_slice %dma_wait3A_124[%mul3A_100, %dma_wait3A_125] : memref<79x128xi32, #tpu.memory_space<hbm>> -> memref<1x128xi32, #tpu.memory_space<hbm>>
      tpu.wait_dma2 semaphore(%arg15 : memref<!tpu.dma_semaphore, #tpu.memory_space<semaphore_mem>>) src(%dma_wait3A_126 : memref<1x128xi32, #tpu.memory_space<hbm>>) dst(%arg8 : memref<1x128xi32, #tpu.memory_space<vmem>>)
      %run_scoped3A_127 = arith.constant 0 : i32
      "tpu.region"() ({
        %run_scoped3A_190 = tpu.sem_alloc : memref<!tpu.dma_semaphore, #tpu.memory_space<semaphore_mem>>
        %dma_start3A_191 = arith.constant 0 : i32
        %dma_start3A_192 = tpu.memref_slice %arg8[%run_scoped3A_127, %dma_start3A_191] : memref<1x128xi32, #tpu.memory_space<vmem>> -> memref<1x128xi32, #tpu.memory_space<vmem>>
        %dma_start3A_193 = tpu.memref_squeeze %dma_start3A_192 : memref<1x128xi32, #tpu.memory_space<vmem>> -> memref<128xi32, #tpu.memory_space<vmem>>
        %dma_start3A_194 = arith.constant 0 : i32
        %dma_start3A_195 = arith.constant 0 : i32
        %dma_start3A_196 = tpu.memref_slice %arg12[%dma_start3A_194, %dma_start3A_195] : memref<10112x128xf32, #tpu.memory_space<vmem_shared>> -> memref<10112x128xf32, #tpu.memory_space<vmem_shared>>
        tpu.enqueue_indirect_dma source(%arg10 : memref<128x128xf32, #tpu.memory_space<vmem>>) target(%dma_start3A_196 : memref<10112x128xf32, #tpu.memory_space<vmem_shared>>) offsets(%dma_start3A_193 : memref<128xi32, #tpu.memory_space<vmem>>) semaphore(%run_scoped3A_190 : memref<!tpu.dma_semaphore, #tpu.memory_space<semaphore_mem>>) {add = true}
        %dma_wait3A_197 = arith.constant 0 : i32
        %dma_wait3A_198 = tpu.memref_slice %arg8[%run_scoped3A_127, %dma_wait3A_197] : memref<1x128xi32, #tpu.memory_space<vmem>> -> memref<1x128xi32, #tpu.memory_space<vmem>>
        %dma_wait3A_199 = tpu.memref_squeeze %dma_wait3A_198 : memref<1x128xi32, #tpu.memory_space<vmem>> -> memref<128xi32, #tpu.memory_space<vmem>>
        %dma_wait3A_200 = arith.constant 0 : i32
        %dma_wait3A_201 = arith.constant 0 : i32
        %dma_wait3A_202 = tpu.memref_slice %arg12[%dma_wait3A_200, %dma_wait3A_201] : memref<10112x128xf32, #tpu.memory_space<vmem_shared>> -> memref<10112x128xf32, #tpu.memory_space<vmem_shared>>
        tpu.wait_indirect_dma semaphore(%run_scoped3A_190 : memref<!tpu.dma_semaphore, #tpu.memory_space<semaphore_mem>>) src(%arg10 : memref<128x128xf32, #tpu.memory_space<vmem>>) dst(%dma_wait3A_202 : memref<10112x128xf32, #tpu.memory_space<vmem_shared>>)
        tpu.yield
      }) : () -> ()
      %add3A_128 = arith.constant 2 : i32
      %add3A_129 = arith.addi %mul3A_100, %add3A_128 : i32
      %min3A = arith.constant 78 : i32
      %min3A_130 = arith.minsi %add3A_129, %min3A : i32
      %dma_start3A_131 = arith.constant 0 : i32
      %dma_start3A_132 = arith.constant 0 : i32
      %dma_start3A_133 = tpu.memref_slice %arg3[%add3A, %dma_start3A_131, %dma_start3A_132] : memref<32x79x128xi32, #tpu.memory_space<hbm>> -> memref<1x79x128xi32, #tpu.memory_space<hbm>>
      %dma_start3A_134 = tpu.memref_squeeze %dma_start3A_133 : memref<1x79x128xi32, #tpu.memory_space<hbm>> -> memref<79x128xi32, #tpu.memory_space<hbm>>
      %dma_start3A_135 = arith.constant 0 : i32
      %dma_start3A_136 = tpu.memref_slice %dma_start3A_134[%min3A_130, %dma_start3A_135] : memref<79x128xi32, #tpu.memory_space<hbm>> -> memref<1x128xi32, #tpu.memory_space<hbm>>
      %dma_start3A_137 = arith.constant 0 : i32
      %dma_start3A_138 = arith.constant 0 : i32
      %dma_start3A_139 = tpu.memref_slice %arg3[%add3A, %dma_start3A_137, %dma_start3A_138] : memref<32x79x128xi32, #tpu.memory_space<hbm>> -> memref<1x79x128xi32, #tpu.memory_space<hbm>>
      %dma_start3A_140 = tpu.memref_squeeze %dma_start3A_139 : memref<1x79x128xi32, #tpu.memory_space<hbm>> -> memref<79x128xi32, #tpu.memory_space<hbm>>
      %dma_start3A_141 = arith.constant 0 : i32
      %dma_start3A_142 = tpu.memref_slice %dma_start3A_140[%min3A_130, %dma_start3A_141] : memref<79x128xi32, #tpu.memory_space<hbm>> -> memref<1x128xi32, #tpu.memory_space<hbm>>
      tpu.enqueue_dma source(%dma_start3A_142 : memref<1x128xi32, #tpu.memory_space<hbm>>) target(%arg8 : memref<1x128xi32, #tpu.memory_space<vmem>>) target_semaphore(%arg15 : memref<!tpu.dma_semaphore, #tpu.memory_space<semaphore_mem>>)
      %add3A_143 = arith.constant 2 : i32
      %add3A_144 = arith.addi %mul3A_100, %add3A_143 : i32
      %dma_start3A_145 = arith.constant 0 : i32
      %dma_start3A_146 = tpu.memref_slice %arg7[%add3A_144, %dma_start3A_145] : memref<79x128xi32, #tpu.memory_space<vmem>> -> memref<1x128xi32, #tpu.memory_space<vmem>>
      %dma_start3A_147 = tpu.memref_squeeze %dma_start3A_146 : memref<1x128xi32, #tpu.memory_space<vmem>> -> memref<128xi32, #tpu.memory_space<vmem>>
      %dma_start3A_148 = arith.constant 0 : i32
      %dma_start3A_149 = arith.constant 0 : i32
      %dma_start3A_150 = tpu.memref_slice %arg2[%dma_start3A_148, %dma_start3A_149] : memref<10000x128xf32, #tpu.memory_space<hbm>> -> memref<10000x128xf32, #tpu.memory_space<hbm>>
      tpu.enqueue_indirect_dma source(%dma_start3A_150 : memref<10000x128xf32, #tpu.memory_space<hbm>>) target(%arg10 : memref<128x128xf32, #tpu.memory_space<vmem>>) offsets(%dma_start3A_147 : memref<128xi32, #tpu.memory_space<vmem>>) semaphore(%arg13 : memref<!tpu.dma_semaphore, #tpu.memory_space<semaphore_mem>>)
      %add3A_151 = arith.constant 1 : i32
      %add3A_152 = arith.addi %mul3A_100, %add3A_151 : i32
      %dma_wait3A_153 = arith.constant 0 : i32
      %dma_wait3A_154 = tpu.memref_slice %arg7[%add3A_152, %dma_wait3A_153] : memref<79x128xi32, #tpu.memory_space<vmem>> -> memref<1x128xi32, #tpu.memory_space<vmem>>
      %dma_wait3A_155 = tpu.memref_squeeze %dma_wait3A_154 : memref<1x128xi32, #tpu.memory_space<vmem>> -> memref<128xi32, #tpu.memory_space<vmem>>
      %dma_wait3A_156 = arith.constant 0 : i32
      %dma_wait3A_157 = arith.constant 0 : i32
      %dma_wait3A_158 = tpu.memref_slice %arg2[%dma_wait3A_156, %dma_wait3A_157] : memref<10000x128xf32, #tpu.memory_space<hbm>> -> memref<10000x128xf32, #tpu.memory_space<hbm>>
      tpu.wait_indirect_dma semaphore(%arg14 : memref<!tpu.dma_semaphore, #tpu.memory_space<semaphore_mem>>) src(%dma_wait3A_158 : memref<10000x128xf32, #tpu.memory_space<hbm>>) dst(%arg11 : memref<128x128xf32, #tpu.memory_space<vmem>>)
      %add3A_159 = arith.constant 1 : i32
      %add3A_160 = arith.addi %mul3A_100, %add3A_159 : i32
      %dma_wait3A_161 = arith.constant 0 : i32
      %dma_wait3A_162 = arith.constant 0 : i32
      %dma_wait3A_163 = tpu.memref_slice %arg3[%add3A, %dma_wait3A_161, %dma_wait3A_162] : memref<32x79x128xi32, #tpu.memory_space<hbm>> -> memref<1x79x128xi32, #tpu.memory_space<hbm>>
      %dma_wait3A_164 = tpu.memref_squeeze %dma_wait3A_163 : memref<1x79x128xi32, #tpu.memory_space<hbm>> -> memref<79x128xi32, #tpu.memory_space<hbm>>
      %dma_wait3A_165 = arith.constant 0 : i32
      %dma_wait3A_166 = tpu.memref_slice %dma_wait3A_164[%add3A_160, %dma_wait3A_165] : memref<79x128xi32, #tpu.memory_space<hbm>> -> memref<1x128xi32, #tpu.memory_space<hbm>>
      %dma_wait3A_167 = arith.constant 0 : i32
      %dma_wait3A_168 = arith.constant 0 : i32
      %dma_wait3A_169 = tpu.memref_slice %arg3[%add3A, %dma_wait3A_167, %dma_wait3A_168] : memref<32x79x128xi32, #tpu.memory_space<hbm>> -> memref<1x79x128xi32, #tpu.memory_space<hbm>>
      %dma_wait3A_170 = tpu.memref_squeeze %dma_wait3A_169 : memref<1x79x128xi32, #tpu.memory_space<hbm>> -> memref<79x128xi32, #tpu.memory_space<hbm>>
      %dma_wait3A_171 = arith.constant 0 : i32
      %dma_wait3A_172 = tpu.memref_slice %dma_wait3A_170[%add3A_160, %dma_wait3A_171] : memref<79x128xi32, #tpu.memory_space<hbm>> -> memref<1x128xi32, #tpu.memory_space<hbm>>
      tpu.wait_dma2 semaphore(%arg16 : memref<!tpu.dma_semaphore, #tpu.memory_space<semaphore_mem>>) src(%dma_wait3A_172 : memref<1x128xi32, #tpu.memory_space<hbm>>) dst(%arg9 : memref<1x128xi32, #tpu.memory_space<vmem>>)
      %run_scoped3A_173 = arith.constant 0 : i32
      "tpu.region"() ({
        %run_scoped3A_190 = tpu.sem_alloc : memref<!tpu.dma_semaphore, #tpu.memory_space<semaphore_mem>>
        %dma_start3A_191 = arith.constant 0 : i32
        %dma_start3A_192 = tpu.memref_slice %arg9[%run_scoped3A_173, %dma_start3A_191] : memref<1x128xi32, #tpu.memory_space<vmem>> -> memref<1x128xi32, #tpu.memory_space<vmem>>
        %dma_start3A_193 = tpu.memref_squeeze %dma_start3A_192 : memref<1x128xi32, #tpu.memory_space<vmem>> -> memref<128xi32, #tpu.memory_space<vmem>>
        %dma_start3A_194 = arith.constant 0 : i32
        %dma_start3A_195 = arith.constant 0 : i32
        %dma_start3A_196 = tpu.memref_slice %arg12[%dma_start3A_194, %dma_start3A_195] : memref<10112x128xf32, #tpu.memory_space<vmem_shared>> -> memref<10112x128xf32, #tpu.memory_space<vmem_shared>>
        tpu.enqueue_indirect_dma source(%arg11 : memref<128x128xf32, #tpu.memory_space<vmem>>) target(%dma_start3A_196 : memref<10112x128xf32, #tpu.memory_space<vmem_shared>>) offsets(%dma_start3A_193 : memref<128xi32, #tpu.memory_space<vmem>>) semaphore(%run_scoped3A_190 : memref<!tpu.dma_semaphore, #tpu.memory_space<semaphore_mem>>) {add = true}
        %dma_wait3A_197 = arith.constant 0 : i32
        %dma_wait3A_198 = tpu.memref_slice %arg9[%run_scoped3A_173, %dma_wait3A_197] : memref<1x128xi32, #tpu.memory_space<vmem>> -> memref<1x128xi32, #tpu.memory_space<vmem>>
        %dma_wait3A_199 = tpu.memref_squeeze %dma_wait3A_198 : memref<1x128xi32, #tpu.memory_space<vmem>> -> memref<128xi32, #tpu.memory_space<vmem>>
        %dma_wait3A_200 = arith.constant 0 : i32
        %dma_wait3A_201 = arith.constant 0 : i32
        %dma_wait3A_202 = tpu.memref_slice %arg12[%dma_wait3A_200, %dma_wait3A_201] : memref<10112x128xf32, #tpu.memory_space<vmem_shared>> -> memref<10112x128xf32, #tpu.memory_space<vmem_shared>>
        tpu.wait_indirect_dma semaphore(%run_scoped3A_190 : memref<!tpu.dma_semaphore, #tpu.memory_space<semaphore_mem>>) src(%arg11 : memref<128x128xf32, #tpu.memory_space<vmem>>) dst(%dma_wait3A_202 : memref<10112x128xf32, #tpu.memory_space<vmem_shared>>)
        tpu.yield
      }) : () -> ()
      %add3A_174 = arith.constant 3 : i32
      %add3A_175 = arith.addi %mul3A_100, %add3A_174 : i32
      %min3A_176 = arith.constant 78 : i32
      %min3A_177 = arith.minsi %add3A_175, %min3A_176 : i32
      %dma_start3A_178 = arith.constant 0 : i32
      %dma_start3A_179 = arith.constant 0 : i32
      %dma_start3A_180 = tpu.memref_slice %arg3[%add3A, %dma_start3A_178, %dma_start3A_179] : memref<32x79x128xi32, #tpu.memory_space<hbm>> -> memref<1x79x128xi32, #tpu.memory_space<hbm>>
      %dma_start3A_181 = tpu.memref_squeeze %dma_start3A_180 : memref<1x79x128xi32, #tpu.memory_space<hbm>> -> memref<79x128xi32, #tpu.memory_space<hbm>>
      %dma_start3A_182 = arith.constant 0 : i32
      %dma_start3A_183 = tpu.memref_slice %dma_start3A_181[%min3A_177, %dma_start3A_182] : memref<79x128xi32, #tpu.memory_space<hbm>> -> memref<1x128xi32, #tpu.memory_space<hbm>>
      %dma_start3A_184 = arith.constant 0 : i32
      %dma_start3A_185 = arith.constant 0 : i32
      %dma_start3A_186 = tpu.memref_slice %arg3[%add3A, %dma_start3A_184, %dma_start3A_185] : memref<32x79x128xi32, #tpu.memory_space<hbm>> -> memref<1x79x128xi32, #tpu.memory_space<hbm>>
      %dma_start3A_187 = tpu.memref_squeeze %dma_start3A_186 : memref<1x79x128xi32, #tpu.memory_space<hbm>> -> memref<79x128xi32, #tpu.memory_space<hbm>>
      %dma_start3A_188 = arith.constant 0 : i32
      %dma_start3A_189 = tpu.memref_slice %dma_start3A_187[%min3A_177, %dma_start3A_188] : memref<79x128xi32, #tpu.memory_space<hbm>> -> memref<1x128xi32, #tpu.memory_space<hbm>>
      tpu.enqueue_dma source(%dma_start3A_189 : memref<1x128xi32, #tpu.memory_space<hbm>>) target(%arg9 : memref<1x128xi32, #tpu.memory_space<vmem>>) target_semaphore(%arg16 : memref<!tpu.dma_semaphore, #tpu.memory_space<semaphore_mem>>)
    }
    %scan3A_57 = arith.constant 39 : i32
    %dma_wait3A_58 = arith.constant 78 : i32
    %dma_wait3A_59 = arith.constant 0 : i32
    %dma_wait3A_60 = tpu.memref_slice %arg7[%dma_wait3A_58, %dma_wait3A_59] : memref<79x128xi32, #tpu.memory_space<vmem>> -> memref<1x128xi32, #tpu.memory_space<vmem>>
    %dma_wait3A_61 = tpu.memref_squeeze %dma_wait3A_60 : memref<1x128xi32, #tpu.memory_space<vmem>> -> memref<128xi32, #tpu.memory_space<vmem>>
    %dma_wait3A_62 = arith.constant 0 : i32
    %dma_wait3A_63 = arith.constant 0 : i32
    %dma_wait3A_64 = tpu.memref_slice %arg2[%dma_wait3A_62, %dma_wait3A_63] : memref<10000x128xf32, #tpu.memory_space<hbm>> -> memref<10000x128xf32, #tpu.memory_space<hbm>>
    tpu.wait_indirect_dma semaphore(%arg13 : memref<!tpu.dma_semaphore, #tpu.memory_space<semaphore_mem>>) src(%dma_wait3A_64 : memref<10000x128xf32, #tpu.memory_space<hbm>>) dst(%arg10 : memref<128x128xf32, #tpu.memory_space<vmem>>)
    %dma_wait3A_65 = arith.constant 0 : i32
    %dma_wait3A_66 = arith.constant 0 : i32
    %dma_wait3A_67 = tpu.memref_slice %arg3[%add3A, %dma_wait3A_65, %dma_wait3A_66] : memref<32x79x128xi32, #tpu.memory_space<hbm>> -> memref<1x79x128xi32, #tpu.memory_space<hbm>>
    %dma_wait3A_68 = tpu.memref_squeeze %dma_wait3A_67 : memref<1x79x128xi32, #tpu.memory_space<hbm>> -> memref<79x128xi32, #tpu.memory_space<hbm>>
    %dma_wait3A_69 = arith.constant 78 : i32
    %dma_wait3A_70 = arith.constant 0 : i32
    %dma_wait3A_71 = tpu.memref_slice %dma_wait3A_68[%dma_wait3A_69, %dma_wait3A_70] : memref<79x128xi32, #tpu.memory_space<hbm>> -> memref<1x128xi32, #tpu.memory_space<hbm>>
    %dma_wait3A_72 = arith.constant 0 : i32
    %dma_wait3A_73 = arith.constant 0 : i32
    %dma_wait3A_74 = tpu.memref_slice %arg3[%add3A, %dma_wait3A_72, %dma_wait3A_73] : memref<32x79x128xi32, #tpu.memory_space<hbm>> -> memref<1x79x128xi32, #tpu.memory_space<hbm>>
    %dma_wait3A_75 = tpu.memref_squeeze %dma_wait3A_74 : memref<1x79x128xi32, #tpu.memory_space<hbm>> -> memref<79x128xi32, #tpu.memory_space<hbm>>
    %dma_wait3A_76 = arith.constant 78 : i32
    %dma_wait3A_77 = arith.constant 0 : i32
    %dma_wait3A_78 = tpu.memref_slice %dma_wait3A_75[%dma_wait3A_76, %dma_wait3A_77] : memref<79x128xi32, #tpu.memory_space<hbm>> -> memref<1x128xi32, #tpu.memory_space<hbm>>
    tpu.wait_dma2 semaphore(%arg15 : memref<!tpu.dma_semaphore, #tpu.memory_space<semaphore_mem>>) src(%dma_wait3A_78 : memref<1x128xi32, #tpu.memory_space<hbm>>) dst(%arg8 : memref<1x128xi32, #tpu.memory_space<vmem>>)
    %run_scoped3A = arith.constant 0 : i32
    "tpu.region"() ({
      %run_scoped3A_98 = tpu.sem_alloc : memref<!tpu.dma_semaphore, #tpu.memory_space<semaphore_mem>>
      %dma_start3A_99 = arith.constant 0 : i32
      %dma_start3A_100 = tpu.memref_slice %arg8[%run_scoped3A, %dma_start3A_99] : memref<1x128xi32, #tpu.memory_space<vmem>> -> memref<1x128xi32, #tpu.memory_space<vmem>>
      %dma_start3A_101 = tpu.memref_squeeze %dma_start3A_100 : memref<1x128xi32, #tpu.memory_space<vmem>> -> memref<128xi32, #tpu.memory_space<vmem>>
      %dma_start3A_102 = arith.constant 0 : i32
      %dma_start3A_103 = arith.constant 0 : i32
      %dma_start3A_104 = tpu.memref_slice %arg12[%dma_start3A_102, %dma_start3A_103] : memref<10112x128xf32, #tpu.memory_space<vmem_shared>> -> memref<10112x128xf32, #tpu.memory_space<vmem_shared>>
      tpu.enqueue_indirect_dma source(%arg10 : memref<128x128xf32, #tpu.memory_space<vmem>>) target(%dma_start3A_104 : memref<10112x128xf32, #tpu.memory_space<vmem_shared>>) offsets(%dma_start3A_101 : memref<128xi32, #tpu.memory_space<vmem>>) semaphore(%run_scoped3A_98 : memref<!tpu.dma_semaphore, #tpu.memory_space<semaphore_mem>>) {add = true}
      %dma_wait3A_105 = arith.constant 0 : i32
      %dma_wait3A_106 = tpu.memref_slice %arg8[%run_scoped3A, %dma_wait3A_105] : memref<1x128xi32, #tpu.memory_space<vmem>> -> memref<1x128xi32, #tpu.memory_space<vmem>>
      %dma_wait3A_107 = tpu.memref_squeeze %dma_wait3A_106 : memref<1x128xi32, #tpu.memory_space<vmem>> -> memref<128xi32, #tpu.memory_space<vmem>>
      %dma_wait3A_108 = arith.constant 0 : i32
      %dma_wait3A_109 = arith.constant 0 : i32
      %dma_wait3A_110 = tpu.memref_slice %arg12[%dma_wait3A_108, %dma_wait3A_109] : memref<10112x128xf32, #tpu.memory_space<vmem_shared>> -> memref<10112x128xf32, #tpu.memory_space<vmem_shared>>
      tpu.wait_indirect_dma semaphore(%run_scoped3A_98 : memref<!tpu.dma_semaphore, #tpu.memory_space<semaphore_mem>>) src(%arg10 : memref<128x128xf32, #tpu.memory_space<vmem>>) dst(%dma_wait3A_110 : memref<10112x128xf32, #tpu.memory_space<vmem_shared>>)
      tpu.yield
    }) : () -> ()
    %dma_wait3A_79 = arith.constant 0 : i32
    %dma_wait3A_80 = arith.constant 0 : i32
    %dma_wait3A_81 = tpu.memref_slice %arg3[%add3A, %dma_wait3A_79, %dma_wait3A_80] : memref<32x79x128xi32, #tpu.memory_space<hbm>> -> memref<1x79x128xi32, #tpu.memory_space<hbm>>
    %dma_wait3A_82 = tpu.memref_squeeze %dma_wait3A_81 : memref<1x79x128xi32, #tpu.memory_space<hbm>> -> memref<79x128xi32, #tpu.memory_space<hbm>>
    %dma_wait3A_83 = arith.constant 78 : i32
    %dma_wait3A_84 = arith.constant 0 : i32
    %dma_wait3A_85 = tpu.memref_slice %dma_wait3A_82[%dma_wait3A_83, %dma_wait3A_84] : memref<79x128xi32, #tpu.memory_space<hbm>> -> memref<1x128xi32, #tpu.memory_space<hbm>>
    %dma_wait3A_86 = arith.constant 0 : i32
    %dma_wait3A_87 = arith.constant 0 : i32
    %dma_wait3A_88 = tpu.memref_slice %arg3[%add3A, %dma_wait3A_86, %dma_wait3A_87] : memref<32x79x128xi32, #tpu.memory_space<hbm>> -> memref<1x79x128xi32, #tpu.memory_space<hbm>>
    %dma_wait3A_89 = tpu.memref_squeeze %dma_wait3A_88 : memref<1x79x128xi32, #tpu.memory_space<hbm>> -> memref<79x128xi32, #tpu.memory_space<hbm>>
    %dma_wait3A_90 = arith.constant 78 : i32
    %dma_wait3A_91 = arith.constant 0 : i32
    %dma_wait3A_92 = tpu.memref_slice %dma_wait3A_89[%dma_wait3A_90, %dma_wait3A_91] : memref<79x128xi32, #tpu.memory_space<hbm>> -> memref<1x128xi32, #tpu.memory_space<hbm>>
    tpu.wait_dma2 semaphore(%arg16 : memref<!tpu.dma_semaphore, #tpu.memory_space<semaphore_mem>>) src(%dma_wait3A_92 : memref<1x128xi32, #tpu.memory_space<hbm>>) dst(%arg9 : memref<1x128xi32, #tpu.memory_space<vmem>>)
    %barrier3A_93 = arith.constant 0 : index
    tpu.barrier barrier_id(%barrier3A_93)
    %mul3A_94 = arith.constant 632 : i32
    %mul3A_95 = arith.muli %arg1, %mul3A_94 : i32
    %mul3A_96 = arith.constant 632 : i32
    %mul3A_97 = arith.muli %arg1, %mul3A_96 : i32
    "tpu.region"() ({
      %run_scoped3A_98 = tpu.sem_alloc : memref<!tpu.dma_semaphore, #tpu.memory_space<semaphore_mem>>
      %dma_start3A_99 = arith.constant 0 : i32
      %dma_start3A_100 = arith.constant 0 : i32
      %dma_start3A_101 = tpu.memref_slice %arg6[%arg0, %dma_start3A_99, %dma_start3A_100] : memref<2x10112x128xf32, #tpu.memory_space<hbm>> -> memref<1x10112x128xf32, #tpu.memory_space<hbm>>
      %dma_start3A_102 = tpu.memref_squeeze %dma_start3A_101 : memref<1x10112x128xf32, #tpu.memory_space<hbm>> -> memref<10112x128xf32, #tpu.memory_space<hbm>>
      %dma_start3A_103 = arith.constant 0 : i32
      %dma_start3A_104 = tpu.memref_slice %dma_start3A_102[%mul3A_97, %dma_start3A_103] : memref<10112x128xf32, #tpu.memory_space<hbm>> -> memref<632x128xf32, #tpu.memory_space<hbm>>
      %dma_start3A_105 = arith.constant 0 : i32
      %dma_start3A_106 = tpu.memref_slice %arg12[%mul3A_95, %dma_start3A_105] : memref<10112x128xf32, #tpu.memory_space<vmem_shared>> -> memref<632x128xf32, #tpu.memory_space<vmem_shared>>
      tpu.enqueue_dma source(%dma_start3A_106 : memref<632x128xf32, #tpu.memory_space<vmem_shared>>) target(%dma_start3A_104 : memref<632x128xf32, #tpu.memory_space<hbm>>) target_semaphore(%run_scoped3A_98 : memref<!tpu.dma_semaphore, #tpu.memory_space<semaphore_mem>>)
      %dma_wait3A_107 = arith.constant 0 : i32
      %dma_wait3A_108 = arith.constant 0 : i32
      %dma_wait3A_109 = tpu.memref_slice %arg6[%arg0, %dma_wait3A_107, %dma_wait3A_108] : memref<2x10112x128xf32, #tpu.memory_space<hbm>> -> memref<1x10112x128xf32, #tpu.memory_space<hbm>>
      %dma_wait3A_110 = tpu.memref_squeeze %dma_wait3A_109 : memref<1x10112x128xf32, #tpu.memory_space<hbm>> -> memref<10112x128xf32, #tpu.memory_space<hbm>>
      %dma_wait3A_111 = arith.constant 0 : i32
      %dma_wait3A_112 = tpu.memref_slice %dma_wait3A_110[%mul3A_97, %dma_wait3A_111] : memref<10112x128xf32, #tpu.memory_space<hbm>> -> memref<632x128xf32, #tpu.memory_space<hbm>>
      %dma_wait3A_113 = arith.constant 0 : i32
      %dma_wait3A_114 = tpu.memref_slice %arg12[%mul3A_95, %dma_wait3A_113] : memref<10112x128xf32, #tpu.memory_space<vmem_shared>> -> memref<632x128xf32, #tpu.memory_space<vmem_shared>>
      tpu.wait_dma2 semaphore(%run_scoped3A_98 : memref<!tpu.dma_semaphore, #tpu.memory_space<semaphore_mem>>) src(%dma_wait3A_114 : memref<632x128xf32, #tpu.memory_space<vmem_shared>>) dst(%dma_wait3A_112 : memref<632x128xf32, #tpu.memory_space<hbm>>)
      tpu.yield
    }) : () -> ()
    return
  }
}

#map = affine_map<(d0, d1) -> (0, 0, 0)>
#map1 = affine_map<(d0, d1) -> (0, 0)>
module attributes {stable_mosaic.version = 14 : i64} {
  func.func @_hist_body(%arg0: i32, %arg1: i32, %arg2: memref<32x79x128xi32, #tpu.memory_space<hbm>>, %arg3: memref<32x10016xf32, #tpu.memory_space<hbm>>, %arg4: memref<79x128xi32, #tpu.memory_space<vmem>>, %arg5: memref<10016xf32, #tpu.memory_space<vmem>>, %arg6: memref<!tpu.dma_semaphore, #tpu.memory_space<semaphore_mem>>) attributes {dimension_semantics = [#tpu.dimension_semantics<core_parallel>, #tpu.dimension_semantics<subcore_parallel>], iteration_bounds = array<i64: 2, 16>, scalar_prefetch = 0 : i64, scratch_operands = 3 : i64, tpu.core_type = #tpu.core_type<sc_vector_subcore>, window_params = [{transform_indices = #map}, {transform_indices = #map1}]} {
    %mul3A = arith.constant 2 : i32
    %mul3A_0 = arith.muli %arg1, %mul3A : i32
    %add3A = arith.addi %mul3A_0, %arg0 : i32
    %dma_start3A = arith.constant 0 : i32
    %dma_start3A_1 = arith.constant 0 : i32
    %dma_start3A_2 = tpu.memref_slice %arg2[%add3A, %dma_start3A, %dma_start3A_1] : memref<32x79x128xi32, #tpu.memory_space<hbm>> -> memref<1x79x128xi32, #tpu.memory_space<hbm>>
    %dma_start3A_3 = tpu.memref_squeeze %dma_start3A_2 : memref<1x79x128xi32, #tpu.memory_space<hbm>> -> memref<79x128xi32, #tpu.memory_space<hbm>>
    %dma_start3A_4 = arith.constant 0 : i32
    %dma_start3A_5 = arith.constant 0 : i32
    %dma_start3A_6 = tpu.memref_slice %arg2[%add3A, %dma_start3A_4, %dma_start3A_5] : memref<32x79x128xi32, #tpu.memory_space<hbm>> -> memref<1x79x128xi32, #tpu.memory_space<hbm>>
    %dma_start3A_7 = tpu.memref_squeeze %dma_start3A_6 : memref<1x79x128xi32, #tpu.memory_space<hbm>> -> memref<79x128xi32, #tpu.memory_space<hbm>>
    tpu.enqueue_dma source(%dma_start3A_7 : memref<79x128xi32, #tpu.memory_space<hbm>>) target(%arg4 : memref<79x128xi32, #tpu.memory_space<vmem>>) target_semaphore(%arg6 : memref<!tpu.dma_semaphore, #tpu.memory_space<semaphore_mem>>)
    %broadcast_in_dim3A = arith.constant 0.000000e+00 : f32
    %broadcast_in_dim3A_8 = vector.broadcast %broadcast_in_dim3A : f32 to vector<16xf32>
    %scan3A = arith.constant 0 : i32
    %scan3A_9 = arith.constant 626 : i32
    %scan3A_10 = arith.addi %scan3A, %scan3A_9 : i32
    %scan3A_11 = arith.constant 1 : i32
    scf.for %scan3A_27 = %scan3A to %scan3A_10 step %scan3A_11  : i32 {
      %mul3A_28 = arith.constant 16 : i32
      %mul3A_29 = arith.muli %scan3A_27, %mul3A_28 : i32
      %swap3A = arith.index_cast %mul3A_29 : i32 to index
      %swap3A_30 = tpu.vector_load %arg5[%swap3A] {strides = array<i32>} : memref<10016xf32, #tpu.memory_space<vmem>>, vector<16xf32>,
      tpu.vector_store %arg5[%swap3A], %broadcast_in_dim3A_8 {strides = array<i32>} : memref<10016xf32, #tpu.memory_space<vmem>>, vector<16xf32>,
    }
    %scan3A_12 = arith.constant 626 : i32
    %dma_wait3A = arith.constant 0 : i32
    %dma_wait3A_13 = arith.constant 0 : i32
    %dma_wait3A_14 = tpu.memref_slice %arg2[%add3A, %dma_wait3A, %dma_wait3A_13] : memref<32x79x128xi32, #tpu.memory_space<hbm>> -> memref<1x79x128xi32, #tpu.memory_space<hbm>>
    %dma_wait3A_15 = tpu.memref_squeeze %dma_wait3A_14 : memref<1x79x128xi32, #tpu.memory_space<hbm>> -> memref<79x128xi32, #tpu.memory_space<hbm>>
    %dma_wait3A_16 = arith.constant 0 : i32
    %dma_wait3A_17 = arith.constant 0 : i32
    %dma_wait3A_18 = tpu.memref_slice %arg2[%add3A, %dma_wait3A_16, %dma_wait3A_17] : memref<32x79x128xi32, #tpu.memory_space<hbm>> -> memref<1x79x128xi32, #tpu.memory_space<hbm>>
    %dma_wait3A_19 = tpu.memref_squeeze %dma_wait3A_18 : memref<1x79x128xi32, #tpu.memory_space<hbm>> -> memref<79x128xi32, #tpu.memory_space<hbm>>
    tpu.wait_dma2 semaphore(%arg6 : memref<!tpu.dma_semaphore, #tpu.memory_space<semaphore_mem>>) src(%dma_wait3A_19 : memref<79x128xi32, #tpu.memory_space<hbm>>) dst(%arg4 : memref<79x128xi32, #tpu.memory_space<vmem>>)
    %broadcast_in_dim3A_20 = arith.constant 1.000000e+00 : f32
    %broadcast_in_dim3A_21 = vector.broadcast %broadcast_in_dim3A_20 : f32 to vector<16xf32>
    %scan3A_22 = arith.constant 0 : i32
    %scan3A_23 = arith.constant 79 : i32
    %scan3A_24 = arith.addi %scan3A_22, %scan3A_23 : i32
    %scan3A_25 = arith.constant 1 : i32
    scf.for %scan3A_27 = %scan3A_22 to %scan3A_24 step %scan3A_25  : i32 {
      %get3A = arith.index_cast %scan3A_27 : i32 to index
      %get3A_28 = arith.constant 0 : index
      %get3A_29 = tpu.vector_load %arg4[%get3A, %get3A_28] {strides = array<i32>} : memref<79x128xi32, #tpu.memory_space<vmem>>, vector<16xi32>,
      tpu.vector_store_idx %arg5[%get3A_29], %broadcast_in_dim3A_21 {add = true} : memref<10016xf32, #tpu.memory_space<vmem>>[vector<16xi32>], vector<16xf32>,
      %get3A_30 = arith.index_cast %scan3A_27 : i32 to index
      %get3A_31 = arith.constant 16 : index
      %get3A_32 = tpu.vector_load %arg4[%get3A_30, %get3A_31] {strides = array<i32>} : memref<79x128xi32, #tpu.memory_space<vmem>>, vector<16xi32>,
      tpu.vector_store_idx %arg5[%get3A_32], %broadcast_in_dim3A_21 {add = true} : memref<10016xf32, #tpu.memory_space<vmem>>[vector<16xi32>], vector<16xf32>,
      %get3A_33 = arith.index_cast %scan3A_27 : i32 to index
      %get3A_34 = arith.constant 32 : index
      %get3A_35 = tpu.vector_load %arg4[%get3A_33, %get3A_34] {strides = array<i32>} : memref<79x128xi32, #tpu.memory_space<vmem>>, vector<16xi32>,
      tpu.vector_store_idx %arg5[%get3A_35], %broadcast_in_dim3A_21 {add = true} : memref<10016xf32, #tpu.memory_space<vmem>>[vector<16xi32>], vector<16xf32>,
      %get3A_36 = arith.index_cast %scan3A_27 : i32 to index
      %get3A_37 = arith.constant 48 : index
      %get3A_38 = tpu.vector_load %arg4[%get3A_36, %get3A_37] {strides = array<i32>} : memref<79x128xi32, #tpu.memory_space<vmem>>, vector<16xi32>,
      tpu.vector_store_idx %arg5[%get3A_38], %broadcast_in_dim3A_21 {add = true} : memref<10016xf32, #tpu.memory_space<vmem>>[vector<16xi32>], vector<16xf32>,
      %get3A_39 = arith.index_cast %scan3A_27 : i32 to index
      %get3A_40 = arith.constant 64 : index
      %get3A_41 = tpu.vector_load %arg4[%get3A_39, %get3A_40] {strides = array<i32>} : memref<79x128xi32, #tpu.memory_space<vmem>>, vector<16xi32>,
      tpu.vector_store_idx %arg5[%get3A_41], %broadcast_in_dim3A_21 {add = true} : memref<10016xf32, #tpu.memory_space<vmem>>[vector<16xi32>], vector<16xf32>,
      %get3A_42 = arith.index_cast %scan3A_27 : i32 to index
      %get3A_43 = arith.constant 80 : index
      %get3A_44 = tpu.vector_load %arg4[%get3A_42, %get3A_43] {strides = array<i32>} : memref<79x128xi32, #tpu.memory_space<vmem>>, vector<16xi32>,
      tpu.vector_store_idx %arg5[%get3A_44], %broadcast_in_dim3A_21 {add = true} : memref<10016xf32, #tpu.memory_space<vmem>>[vector<16xi32>], vector<16xf32>,
      %get3A_45 = arith.index_cast %scan3A_27 : i32 to index
      %get3A_46 = arith.constant 96 : index
      %get3A_47 = tpu.vector_load %arg4[%get3A_45, %get3A_46] {strides = array<i32>} : memref<79x128xi32, #tpu.memory_space<vmem>>, vector<16xi32>,
      tpu.vector_store_idx %arg5[%get3A_47], %broadcast_in_dim3A_21 {add = true} : memref<10016xf32, #tpu.memory_space<vmem>>[vector<16xi32>], vector<16xf32>,
      %get3A_48 = arith.index_cast %scan3A_27 : i32 to index
      %get3A_49 = arith.constant 112 : index
      %get3A_50 = tpu.vector_load %arg4[%get3A_48, %get3A_49] {strides = array<i32>} : memref<79x128xi32, #tpu.memory_space<vmem>>, vector<16xi32>,
      tpu.vector_store_idx %arg5[%get3A_50], %broadcast_in_dim3A_21 {add = true} : memref<10016xf32, #tpu.memory_space<vmem>>[vector<16xi32>], vector<16xf32>,
    }
    %scan3A_26 = arith.constant 79 : i32
    "tpu.region"() ({
      %run_scoped3A = tpu.sem_alloc : memref<!tpu.dma_semaphore, #tpu.memory_space<semaphore_mem>>
      %dma_start3A_27 = arith.constant 0 : i32
      %dma_start3A_28 = tpu.memref_slice %arg3[%add3A, %dma_start3A_27] : memref<32x10016xf32, #tpu.memory_space<hbm>> -> memref<1x10016xf32, #tpu.memory_space<hbm>>
      %dma_start3A_29 = tpu.memref_squeeze %dma_start3A_28 : memref<1x10016xf32, #tpu.memory_space<hbm>> -> memref<10016xf32, #tpu.memory_space<hbm>>
      %dma_start3A_30 = arith.constant 0 : i32
      %dma_start3A_31 = tpu.memref_slice %arg3[%add3A, %dma_start3A_30] : memref<32x10016xf32, #tpu.memory_space<hbm>> -> memref<1x10016xf32, #tpu.memory_space<hbm>>
      %dma_start3A_32 = tpu.memref_squeeze %dma_start3A_31 : memref<1x10016xf32, #tpu.memory_space<hbm>> -> memref<10016xf32, #tpu.memory_space<hbm>>
      tpu.enqueue_dma source(%arg5 : memref<10016xf32, #tpu.memory_space<vmem>>) target(%dma_start3A_32 : memref<10016xf32, #tpu.memory_space<hbm>>) target_semaphore(%run_scoped3A : memref<!tpu.dma_semaphore, #tpu.memory_space<semaphore_mem>>)
      %dma_wait3A_33 = arith.constant 0 : i32
      %dma_wait3A_34 = tpu.memref_slice %arg3[%add3A, %dma_wait3A_33] : memref<32x10016xf32, #tpu.memory_space<hbm>> -> memref<1x10016xf32, #tpu.memory_space<hbm>>
      %dma_wait3A_35 = tpu.memref_squeeze %dma_wait3A_34 : memref<1x10016xf32, #tpu.memory_space<hbm>> -> memref<10016xf32, #tpu.memory_space<hbm>>
      %dma_wait3A_36 = arith.constant 0 : i32
      %dma_wait3A_37 = tpu.memref_slice %arg3[%add3A, %dma_wait3A_36] : memref<32x10016xf32, #tpu.memory_space<hbm>> -> memref<1x10016xf32, #tpu.memory_space<hbm>>
      %dma_wait3A_38 = tpu.memref_squeeze %dma_wait3A_37 : memref<1x10016xf32, #tpu.memory_space<hbm>> -> memref<10016xf32, #tpu.memory_space<hbm>>
      tpu.wait_dma2 semaphore(%run_scoped3A : memref<!tpu.dma_semaphore, #tpu.memory_space<semaphore_mem>>) src(%arg5 : memref<10016xf32, #tpu.memory_space<vmem>>) dst(%dma_wait3A_38 : memref<10016xf32, #tpu.memory_space<hbm>>)
      tpu.yield
    }) : () -> ()
    return
  }
}

module attributes {stable_mosaic.version = 14 : i64} {
  func.func @_normalize_body(%arg0: memref<10000x128xf32, #tpu.memory_space<vmem>>, %arg1: memref<10000x128xf32, #tpu.memory_space<vmem>>) attributes {dimension_semantics = [], scalar_prefetch = 0 : i64, scratch_operands = 0 : i64, tpu.core_type = #tpu.core_type<tc>} {
    %get3A = arith.constant 0 : index
    %get3A_0 = arith.constant 0 : index
    %get3A_1 = vector.load %arg0[%get3A, %get3A_0] : memref<10000x128xf32, #tpu.memory_space<vmem>>, vector<10000x128xf32>
    %mul3A = arith.mulf %get3A_1, %get3A_1 : vector<10000x128xf32>
    %reduce_sum3A = arith.constant dense<0.000000e+00> : vector<10000xf32>
    %reduce_sum3A_2 = vector.multi_reduction <add>, %mul3A, %reduce_sum3A [1] : vector<10000x128xf32> to vector<10000xf32>
    %broadcast_in_dim3A = vector.shape_cast %reduce_sum3A_2 : vector<10000xf32> to vector<10000x1xf32>
    %sqrt3A = math.sqrt %broadcast_in_dim3A : vector<10000x1xf32>
    %max3A = arith.constant 9.99999996E-13 : f32
    %max3A_3 = vector.broadcast %max3A : f32 to vector<10000x1xf32>
    %max3A_4 = arith.maximumf %sqrt3A, %max3A_3 : vector<10000x1xf32>
    %div3A = vector.broadcast %max3A_4 : vector<10000x1xf32> to vector<10000x128xf32>
    %div3A_5 = arith.divf %get3A_1, %div3A : vector<10000x128xf32>
    %swap3A = arith.constant 0 : index
    %swap3A_6 = arith.constant 0 : index
    %swap3A_7 = vector.load %arg1[%swap3A, %swap3A_6] : memref<10000x128xf32, #tpu.memory_space<vmem>>, vector<10000x128xf32>
    tpu.vector_store %arg1[%swap3A, %swap3A_6], %div3A_5 {strides = array<i32>} : memref<10000x128xf32, #tpu.memory_space<vmem>>, vector<10000x128xf32>,
    return
  }
}

module attributes {stable_mosaic.version = 14 : i64} {
  func.func @_finish_body(%arg0: memref<2x10112x128xf32, #tpu.memory_space<vmem>>, %arg1: memref<32x10016xf32, #tpu.memory_space<vmem>>, %arg2: memref<10000x128xf32, #tpu.memory_space<vmem>>, %arg3: memref<10000x1xf32, #tpu.memory_space<vmem>>) attributes {dimension_semantics = [], scalar_prefetch = 0 : i64, scratch_operands = 0 : i64, tpu.core_type = #tpu.core_type<tc>} {
    %get3A = arith.constant 0 : index
    %get3A_0 = arith.constant 0 : index
    %get3A_1 = arith.constant 0 : index
    %get3A_2 = vector.load %arg0[%get3A, %get3A_0, %get3A_1] : memref<2x10112x128xf32, #tpu.memory_space<vmem>>, vector<1x10112x128xf32>
    %get3A_3 = vector.shape_cast %get3A_2 : vector<1x10112x128xf32> to vector<10112x128xf32>
    %get3A_4 = arith.constant 1 : index
    %get3A_5 = arith.constant 0 : index
    %get3A_6 = arith.constant 0 : index
    %get3A_7 = vector.load %arg0[%get3A_4, %get3A_5, %get3A_6] : memref<2x10112x128xf32, #tpu.memory_space<vmem>>, vector<1x10112x128xf32>
    %get3A_8 = vector.shape_cast %get3A_7 : vector<1x10112x128xf32> to vector<10112x128xf32>
    %add3A = arith.addf %get3A_3, %get3A_8 : vector<10112x128xf32>
    %slice3A = vector.extract_strided_slice %add3A {offsets = [0, 0], sizes = [10000, 128], strides = [1, 1]} : vector<10112x128xf32> to vector<10000x128xf32>
    %get3A_9 = arith.constant 0 : index
    %get3A_10 = arith.constant 0 : index
    %get3A_11 = vector.load %arg2[%get3A_9, %get3A_10] : memref<10000x128xf32, #tpu.memory_space<vmem>>, vector<10000x128xf32>
    %mul3A = arith.mulf %get3A_11, %slice3A : vector<10000x128xf32>
    %reduce_sum3A = arith.constant dense<0.000000e+00> : vector<10000xf32>
    %reduce_sum3A_12 = vector.multi_reduction <add>, %mul3A, %reduce_sum3A [1] : vector<10000x128xf32> to vector<10000xf32>
    %broadcast_in_dim3A = vector.shape_cast %reduce_sum3A_12 : vector<10000xf32> to vector<10000x1xf32>
    %get3A_13 = arith.constant 0 : index
    %get3A_14 = arith.constant 0 : index
    %get3A_15 = vector.load %arg1[%get3A_13, %get3A_14] : memref<32x10016xf32, #tpu.memory_space<vmem>>, vector<32x10016xf32>
    %broadcast_in_dim3A_16 = arith.constant 1.000000e+00 : f32
    %broadcast_in_dim3A_17 = vector.broadcast %broadcast_in_dim3A_16 : f32 to vector<32x1xf32>
    %dot_general3A = arith.constant dense<0.000000e+00> : vector<10016x1xf32>
    %dot_general3A_18 = tpu.matmul %get3A_15, %broadcast_in_dim3A_17, %dot_general3A {dimension_numbers = #tpu.dot_dimension_numbers<[0], [0], [1], [1], [0, 1, 1, 1], [], []>, precision = #tpu.contract_precision<fp32>, transpose_lhs_hint = false} : vector<32x10016xf32>, vector<32x1xf32>, vector<10016x1xf32> -> vector<10016x1xf32>
    %slice3A_19 = vector.extract_strided_slice %dot_general3A_18 {offsets = [0, 0], sizes = [10000, 1], strides = [1, 1]} : vector<10016x1xf32> to vector<10000x1xf32>
    %eq3A = arith.constant 0.000000e+00 : f32
    %eq3A_20 = vector.broadcast %eq3A : f32 to vector<10000x1xf32>
    %eq3A_21 = arith.cmpf oeq, %slice3A_19, %eq3A_20 : vector<10000x1xf32>
    %jit3A = arith.constant 1.000000e+00 : f32
    %broadcast_in_dim3A_22 = vector.broadcast %jit3A : f32 to vector<10000x1xf32>
    %select_n3A = arith.select %eq3A_21, %broadcast_in_dim3A_22, %slice3A_19 : vector<10000x1xi1>, vector<10000x1xf32>
    %div3A = arith.divf %broadcast_in_dim3A, %select_n3A : vector<10000x1xf32>
    %add3A_23 = arith.constant 1.000000e+00 : f32
    %add3A_24 = vector.broadcast %add3A_23 : f32 to vector<10000x1xf32>
    %add3A_25 = arith.addf %div3A, %add3A_24 : vector<10000x1xf32>
    %mul3A_26 = arith.constant 5.000000e-01 : f32
    %mul3A_27 = vector.broadcast %mul3A_26 : f32 to vector<10000x1xf32>
    %mul3A_28 = arith.mulf %add3A_25, %mul3A_27 : vector<10000x1xf32>
    %jit3A_29 = arith.constant 0.000000e+00 : f32
    %jit3A_30 = arith.constant 1.000000e+00 : f32
    %max3A = vector.broadcast %jit3A_29 : f32 to vector<10000x1xf32>
    %max3A_31 = arith.maximumf %max3A, %mul3A_28 : vector<10000x1xf32>
    %min3A = vector.broadcast %jit3A_30 : f32 to vector<10000x1xf32>
    %min3A_32 = arith.minimumf %min3A, %max3A_31 : vector<10000x1xf32>
    %swap3A = arith.constant 0 : index
    %swap3A_33 = arith.constant 0 : index
    %swap3A_34 = vector.load %arg3[%swap3A, %swap3A_33] : memref<10000x1xf32, #tpu.memory_space<vmem>>, vector<10000x1xf32>
    tpu.vector_store %arg3[%swap3A, %swap3A_33], %min3A_32 {strides = array<i32>} : memref<10000x1xf32, #tpu.memory_space<vmem>>, vector<10000x1xf32>,
    return
  }
}

</mosaic_0001>

<sc_bundles>
// kernel: kernel.6.cloned.1.call-start
scs
__scs_entry_jumppad:
0x0: {  	(pc) =	sbr.rel $0x88, $3  }
0x1: {  	(tag) =	ssettag $0x0;
	lr =	simm.s32 $0x1  }
0x2: {  	[smem:$0x3F9F] =	sst lr;
	_ =	strace $0xD0000000  }
0x3: {  	_ = 	snop  }
0x4: {  	_ = 	snop  }
0x5: {  	_ = 	snop  }
0x6: {  	_ = 	snop  }
0x7: {  	_ = 	snop  }
__scs_overlays_trampoline_lowered:
0x8: {  	[smem:$0x3FAE] =	sst s0  }
0x9: {  	[smem:$0x3FAF] =	sst s1  }
0xa: {  	[smem:$0x3FB0] =	sst s2  }
0xb: {  	[smem:$0x3FB1] =	sst s3  }
0xc: {  	[smem:$0x3FB2] =	sst s4  }
0xd: {  	[smem:$0x3FB3] =	sst s5  }
0xe: {  	[smem:$0x3FB4] =	sst s6  }
0xf: {  	[smem:$0x3FB5] =	sst s7  }
0x10: {  	[smem:$0x3FB6] =	sst s8  }
0x11: {  	[smem:$0x3FB7] =	sst s9;
	s0 =	simm.s32 @!p0 $0x0  }
0x12: {  	s1 =	sld [smem:$0x3F9D];
	s0 =	simm.s32 @p0 $0x1  }
0x13: {  	[smem:$0x3FB8] =	sst s0;
	s0 =	simm.s32 @!p1 $0x0  }
0x14: {  	s2 =	sld [smem:$0x3F9C];
	s0 =	simm.s32 @p1 $0x1  }
0x15: {  	[smem:$0x3FB9] =	sst s0;
	s0 =	simm.s32 @!p2 $0x0  }
0x16: {  	s3 =	sld [smem:$0x3FDB];
	s0 =	simm.s32 @p2 $0x1  }
0x17: {  	s4 =	simm.s32 $0x1BF5;
	[smem:$0x3FBB] =	sst s0  }
0x18: {  	s0 =	sld [smem:$0x3F9E];
	_ =	swait.ge [sflag:s4], $0x0  }
0x19: {  	s7 =	sld [smem:$0x3F9F]  }
0x1a: {  	s8 =	sadd.s32 $0xFFFFE003, lr  }
0x1b: {  	s9 =	sadd.s32 $0xFFFFFEF7, lr;
	s5 =	simm.s32 $0xFFFFFFFF;
	p2 =	slt.u32 s8, $0xFFFFF086  }
0x1c: {  	p1 =	slt.u32 s9, $0xF7A;
	s5 =	simm.s32 @!p2 $0x0  }
0x1d: {  	s5 =	simm.s32 @p1 $0x1;
	p0 =	seq.s32 s7, s2  }
0x1e: {  	s7 =	smul.u32 @!p0 $0xF7A, s2;
	p2 =	seq.s32 @!p0 s5, $0x0  }
0x1f: {  	s9 =	smul.u32 $0xF7A, s1;
	s8 =	simm.s32 @!p0 $0x1BF5;
	p2 =	por !p2, p0  }
0x20: {  	[sflag:s8] =	ssyncset.s32 @!p0 $0xFFFFF086;
	s6 =	sadd.s32 @!p0 s3, s7;
	s7 =	simm.s32 @!p0 $0x108  }
0x21: {  	s3 =	sadd.s32 s3, s9;
	s6 =	sadd.s32 @!p0 $0x88, s6;
	s7 =	simm.s32 @p2 $0x1082  }
0x22: {  	[simem:s7], [sflag:s8] =	dma.local @!p0 [hbm:s6], $0xF7A  }
0x23: {  	s9 =	sor.u32 $0xD0000000, s2;
	s6 =	simm.s32 $0x108;
	_ =	swait.ge @!p0 [sflag:s8], $0x0  }
0x24: {  	s3 =	sadd.s32 $0x88, s3;
	s6 =	simm.s32 @!p1 $0x1082;
	[sflag:s4] =	ssyncset.s32 $0xFFFFF086  }
0x25: {  	[simem:s6], [sflag:s4] =	dma.local [hbm:s3], $0xF7A  }
0x26: {  	[smem:$0x3F9F] =	sst s1;
	(tag) =	ssettag s2;
	_ =	strace s9  }
0x27: {  	s1 =	sld [smem:$0x3FAF]  }
0x28: {  	s2 =	sld [smem:$0x3FB0]  }
0x29: {  	s4 =	sld [smem:$0x3FB2]  }
0x2a: {  	p0 =	seq.s32 s5, $0x0;
	s5 =	sld [smem:$0x3FB3]  }
0x2b: {  	s6 =	sld [smem:$0x3FB4]  }
0x2c: {  	s7 =	sld [smem:$0x3FB5]  }
0x2d: {  	s3 =	simm.s32 $0x108;
	s8 =	sld [smem:$0x3FB6]  }
0x2e: {  	s3 =	simm.s32 @!p0 $0x1082;
	s9 =	sld [smem:$0x3FB7]  }
0x2f: {  	lr =	sadd.s32 s0, s3;
	s0 =	sld [smem:$0x3FAE]  }
0x30: {  	s3 =	sld [smem:$0x3FB1]  }
0x31: {  	[smem:$0x3FBA] =	sst s10  }
0x32: {  	s10 =	sld [smem:$0x3FB8];
	_ =	sdelay $0x3  }
0x33: {  	p0 =	seq.s32 s10, $0x1;
	s10 =	sld [smem:$0x3FBA];
	_ =	sdelay $0x3  }
0x34: {  	[smem:$0x3FBA] =	sst s10  }
0x35: {  	s10 =	sld [smem:$0x3FB9];
	_ =	sdelay $0x3  }
0x36: {  	p1 =	seq.s32 s10, $0x1;
	s10 =	sld [smem:$0x3FBA];
	_ =	sdelay $0x3  }
0x37: {  	[smem:$0x3FBA] =	sst s10  }
0x38: {  	s10 =	sld [smem:$0x3FBB]  }
0x39: {  	_ = 	snop;
	(pc) =	sbr.ind lr, $3  }
0x3a: {  	_ = 	snop  }
0x3b: {  	_ = 	snop  }
0x3c: {  	p2 =	seq.s32 s10, $0x1;
	s10 =	sld [smem:$0x3FBA]  }
0x3d: {  	_ =	shalt  }
0x3e: {  	_ =	shalt  }
0x3f: {  	_ =	shalt  }
0x40: {  	_ =	shalt  }
0x41: {  	_ =	shalt  }
0x42: {  	_ =	shalt  }
0x43: {  	_ =	shalt  }
0x44: {  	_ =	shalt  }
0x45: {  	_ =	shalt  }
0x46: {  	_ =	shalt  }
0x47: {  	_ =	shalt  }
0x48: {  	_ =	shalt  }
0x49: {  	_ =	shalt  }
0x4a: {  	_ =	shalt  }
0x4b: {  	_ =	shalt  }
0x4c: {  	_ =	shalt  }
0x4d: {  	_ =	shalt  }
0x4e: {  	_ =	shalt  }
0x4f: {  	_ =	shalt  }
0x50: {  	_ =	shalt  }
0x51: {  	_ =	shalt  }
0x52: {  	_ =	shalt  }
0x53: {  	_ =	shalt  }
0x54: {  	_ =	shalt  }
0x55: {  	_ =	shalt  }
0x56: {  	_ =	shalt  }
0x57: {  	_ =	shalt  }
0x58: {  	_ =	shalt  }
0x59: {  	_ =	shalt  }
0x5a: {  	_ =	shalt  }
0x5b: {  	_ =	shalt  }
0x5c: {  	_ =	shalt  }
0x5d: {  	_ =	shalt  }
0x5e: {  	_ =	shalt  }
0x5f: {  	_ =	shalt  }
0x60: {  	_ =	shalt  }
0x61: {  	_ =	shalt  }
0x62: {  	_ =	shalt  }
0x63: {  	_ =	shalt  }
0x64: {  	_ =	shalt  }
0x65: {  	_ =	shalt  }
0x66: {  	_ =	shalt  }
0x67: {  	_ =	shalt  }
0x68: {  	_ =	shalt  }
0x69: {  	_ =	shalt  }
0x6a: {  	_ =	shalt  }
0x6b: {  	_ =	shalt  }
0x6c: {  	_ =	shalt  }
0x6d: {  	_ =	shalt  }
0x6e: {  	_ =	shalt  }
0x6f: {  	_ =	shalt  }
0x70: {  	_ =	shalt  }
0x71: {  	_ =	shalt  }
0x72: {  	_ =	shalt  }
0x73: {  	_ =	shalt  }
0x74: {  	_ =	shalt  }
0x75: {  	_ =	shalt  }
0x76: {  	_ =	shalt  }
0x77: {  	_ =	shalt  }
0x78: {  	_ =	shalt  }
0x79: {  	_ =	shalt  }
0x7a: {  	_ =	shalt  }
0x7b: {  	_ =	shalt  }
0x7c: {  	_ =	shalt  }
0x7d: {  	_ =	shalt  }
0x7e: {  	_ =	shalt  }
0x7f: {  	_ =	shalt  }
0x80: {  	_ =	shalt  }
0x81: {  	_ =	shalt  }
0x82: {  	_ =	shalt  }
0x83: {  	_ =	shalt  }
0x84: {  	_ =	shalt  }
0x85: {  	_ =	shalt  }
0x86: {  	_ =	shalt  }
0x87: {  	_ =	shalt  }
.Lfunc_end0:
.L_simem_size_0:
called_computation_lowered:
.L_overlay_start_0:
0x88: {  	s2 =	sld [smem:$0x3FD9]  }
0x89: {  	s3 =	sld [smem:$0x3FFE];
	_ =	sdelay $0x1  }
0x8a: {  	s1 =	srdreg.scid  }
0x8b: {  	s0 =	sand.u32 $0x1, s1  }
0x8c: {  	s17 =	sshll.u32 s0, $0xA;
	s2 =	sadd.s32 s3, s2  }
0x8d: {  	s2 =	sadd.s32 s2, s17  }
0x8e: {  	[smem:$0x3FC6] =	sst s2  }
0x8f: {  	_ = 	snop  }
0x90: {  	(tm) =	ssettm $0x1  }
0x91: {  	s18 =	sld [smem:$0x3FFB];
	_ =	sdelay $0x3  }
0x92: {  	_ =	strace s18  }
0x93: {  	s2 =	sld [smem:$0x3FFC];
	_ =	sdelay $0x3  }
0x94: {  	_ =	strace s2  }
0x95: {  	s2 =	sld [smem:$0x3FFD];
	_ =	sdelay $0x3  }
0x96: {  	_ =	strace s2  }
0x97: {  	_ =	strace $0x8FFFFFFF  }
0x98: {  	s19 =	sld [smem:$0x3FDB];
	_ =	sdelay $0x1  }
0x99: {  	s20 =	simm.s32 $_scs_section_size  }
0x9a: {  	s4 =	simm.s32 $_size__tile_overlayer_lowered;
	s5 =	simm.s32 $_tile_overlayer_lowered  }
0x9b: {  	s6 =	simm.s32 $0x1BFF;
	s21 =	sshll.u32 s5, $0x1;
	s3 =	sadd.s32 s20, s19  }
0x9c: {  	s22 =	simm.s32 $0x0;
	s4 =	sshll.u32 s4, $0x1;
	s5 =	sadd.s32 s21, s3  }
0x9d: {  	[timem:s22], [sflag:s6] =	dma.local [hbm:s5], s4  }
0x9e: {  	_ =	swait.ge [sflag:s6], s4  }
0x9f: {  	s4 =	ssub.s32 $0x0, s4;
	[sflag:s6] =	ssyncset.done $0x0  }
0xa0: {  	[sflag:s6] =	ssyncadd.s32 s4;
	_ =	sdelay $0x1  }
0xa1: {  	s23 =	simm.s32 $0x1B8B  }
0xa2: {  	_ =	swait.ge [sflag:s23], $0x1  }
0xa3: {  	[sflag:s23] =	ssyncset.done $0x0  }
0xa4: {  	[sflag:s23] =	ssyncadd.s32 $0xFFFFFFFF  }
0xa5: {  	s4 =	sld [smem:$0x0]  }
0xa6: {  	s5 =	sand.u32 $0xFFFFFFFE, s1  }
0xa7: {  	p0 =	sne.s32 s1, s5  }
0xa8: {  	s5 =	sshll.u32 @p0 s5, $0xE  }
0xa9: {  	s5 =	sadd.s32 @p0 $0x11B8D, s5;
	s6 =	sshll.u32 @p0 s4, $0x11  }
0xaa: {  	s5 =	sor.u32 @p0 s6, s5  }
0xab: {  	[sflag:s5] =	ssyncadd.remote.s32 @p0 $0x1;
	_ =	sdelay $0x1  }
0xac: {  	s5 =	simm.s32 @p0 $0x1B8D  }
0xad: {  	_ =	swait.eq @p0 [sflag:s5], $0x1  }
0xae: {  	[sflag:s5] =	ssyncadd.s32 @p0 $0xFFFFFFFF  }
0xaf: {  	s6 =	sshll.u32 @!p0 s1, $0xE  }
0xb0: {  	s6 =	sor.u32 @!p0 $0x4000, s6;
	s5 =	simm.s32 @!p0 $0x1B8D  }
0xb1: {  	s4 =	sshll.u32 @!p0 s4, $0x11;
	s6 =	sadd.s32 @!p0 $0x11B8D, s6;
	_ =	swait.eq @!p0 [sflag:s5], $0x1  }
0xb2: {  	s4 =	sor.u32 @!p0 s4, s6;
	[sflag:s5] =	ssyncadd.s32 @!p0 $0xFFFFFFFF  }
0xb3: {  	s25 =	simm.s32 $0x1B8E;
	s24 =	sld [smem:$0x3FFE];
	[sflag:s4] =	ssyncadd.remote.s32 @!p0 $0x1  }
0xb4: {  	s26 =	simm.s32 $execute0_lowered;
	[smem:$0x3FD2] =	sst s25  }
0xb5: {  	s5 =	sshll.u32 s26, $0x1;
	_ =	strace $0x80000049;
	[dreg:$0x1] =	wrdreg $0xFFFFFFFF  }
0xb6: {  	s28 =	simm.s32 $_size_execute0_lowered;
	s3 =	sadd.s32 s3, s5;
	[dreg:$0x0] =	wrdreg $0x0  }
0xb7: {  	s5 =	sshll.u32 s28, $0x1;
	[dreg:$0x2] =	wrdreg s3  }
0xb8: {  	[dreg:$0x3] =	wrdreg s5  }
0xb9: {  	[dreg:$0x4] =	wrdreg $0xC0  }
0xba: {  	_ =	task [dreg:s22], $0x5FFFF  }
0xbb: {  	[dreg:$0x1] =	wrdreg $0xFFFFFFFF  }
0xbc: {  	[dreg:$0x0] =	wrdreg $0x60  }
0xbd: {  	[dreg:$0x2] =	wrdreg s24  }
0xbe: {  	[dreg:$0x3] =	wrdreg $0x9  }
0xbf: {  	_ =	task.clear_ibuf [dreg:s22], $0x4FFFF;
	_ =	strace $0x90000049  }
0xc0: {  	s29 =	simm.s32 $0x9;
	_ =	strace $0x8000004B  }
0xc1: {  	_ =	swait.ge [sflag:s29], $0x1  }
0xc2: {  	[sflag:s29] =	ssyncadd.s32 $0xFFFFFFFF  }
0xc3: {  	_ =	strace $0x9000004B  }
0xc4: {  	_ =	sfence  }
0xc5: {  	s30 =	sld [smem:$0x0];
	_ =	sdelay $0x2  }
0xc6: {  	s31 =	sshll.u32 s1, $0xD;
	s1 =	sshrl.u32 s1, $0x2  }
0xc7: {  	s4 =	sand.u32 $0x4000, s31;
	s1 =	sadd.s32 s1, s30  }
0xc8: {  	s0 =	sor.u32 s4, s0;
	s1 =	sshll.u32 s1, $0x11  }
0xc9: {  	s0 =	sor.u32 s1, s0  }
0xca: {  	s0 =	sadd.s32 $0x8F2B, s0  }
0xcb: {  	[sflag:s0] =	ssyncadd.remote.s32 $0x1  }
0xcc: {  	_ =	sfence.sel $0xFFFF  }
0xcd: {  	[dreg:$0x0] =	wrdreg $0xFFFFFFFF;
	(pc) =	sbr.abs _section_cstart, $3  }
0xce: {  	[dreg:$0x1] =	wrdreg $0xFFFFFFFF  }
0xcf: {  	_ =	task.clear_ibuf [dreg:s22], $0x2FFFF;
	_ =	strace $0x9FFFFFFF  }
0xd0: {  	(tm) =	ssettm $0x7FFFFFFF  }
0xd1: {  	_ =	shalt  }
tec
execute0_lowered:
.L_overlay_start_1:
0x0: {  	(tag) =	ssettag $0x1  }
0x1: {  	s1 =	srdreg.scid  }
0x2: {  	s0 =	stileid.u32;
	s3 =	rddreg [dreg:$0x0];
	s8 =	simm.s32 $0x80  }
0x3: {  	s9 =	simm.s32 $0x400;
	s10 =	simm.s32 $0x2;
	s11 =	simm.s32 $0x0  }
0x4: {  	s4 =	sand.u32 $0x1, s1;
	s2 =	sshll.u32 s0, $0x1;
	s1 =	rddreg [dreg:$0x1]  }
0x5: {  	s6 =	sshrl.u32 s0, $0x2;
	s5 =	sor.u32 s4, s2;
	s2 =	simm.s32 $0x0  }
0x6: {  	s6 =	smul.u32 $0x13C00, s6;
	s4 =	ssub.s32 $0x2, s4;
	s7 =	sshll.u32 s5, $0x7  }
0x7: {  	[smem:$0x7FF] =	sst s2;
	s5 =	smul.u32 $0x500, s5;
	s7 =	sand.u32 $0x380, s7  }
0x8: {  	s31 =	sshrl.u32 s4, $0x1;
	_ =	strace $0x8000004A;
	s6 =	sor.u32 s6, s7  }
0x9: {  	s5 =	sadd.s32 s5, s3;
	s7 =	ssub.s32 s4, s31;
	s6 =	sshrl.u32 s6, $0x3  }
0xa: {  	s6 =	sadd.s32 s6, s3;
	s3 =	sadd.s32 $0xA00, s5;
	s5 =	smax.u32 s7, $0x1  }
0xb: {  	v0 =	vimm.f32 $0.0e+00;
	v1 =	vimm.f32 $1.000000000e+00;
	s7 =	simm.s32 $0x2800;
	s4 =	sadd.s32 $0xB2400, s6;
	s6 =	simm.s32 $0x1  }
.LBB2_1:
0xc: {  	[tilespmem:s2], [sflag:$0x1] =	stream.linear.gather [hbm4b:s3+s2], $0x2780, $0x38;
	[tilespmem:$0x4F80] =	vst v63  }
0xd: {  	s12 =	simm.s32 $0x40;
	s13 =	simm.s32 $0x0  }
.LBB2_2:
0xe: {  	p0 =	sne.s32 s12, $0x9C40;
	[tilespmem:s13+$0x2800] =	vst v0;
	s13 =	smov.u32 s12;
	s12 =	sadd.s32 $0x40, s12  }
.Ltmp0:
0xf: {  	(pc) =	sbr.rel @p0 .LBB2_2-.Ltmp0, $2  }
0x10: {  	_ =	sdelay $0x2  }
0x11: {  	s13 =	sshra.s32 s13, $0x2  }
0x12: {  	[tilespmem:s13+$0x2800] =	vst v0  }
0x13: {  	_ =	swait.ge [sflag:s6], $0x2780  }
0x14: {  	[sflag:s6] =	ssyncset.done $0x0  }
0x15: {  	s12 =	simm.s32 $0x0;
	[sflag:s6] =	ssyncadd.s32 $0xFFFFD880  }
.LBB2_4:
0x16: {  	s13 =	sshra.s32 s12, $0x2  }
0x17: {  	v2 =	vld [tilespmem:s13+$0x0];
	_ =	sdelay $0x7  }
0x18: {  	[tilespmem:v2+s7+$0x0] =	vst.idx.add.f32.msk $0xffff, v1  }
0x19: {  	v2 =	vld [tilespmem:s13+$0x10];
	_ =	sdelay $0x7  }
0x1a: {  	[tilespmem:v2+s7+$0x0] =	vst.idx.add.f32.msk $0xffff, v1  }
0x1b: {  	v2 =	vld [tilespmem:s13+$0x20];
	_ =	sdelay $0x7  }
0x1c: {  	[tilespmem:v2+s7+$0x0] =	vst.idx.add.f32.msk $0xffff, v1  }
0x1d: {  	v2 =	vld [tilespmem:s13+$0x30];
	_ =	sdelay $0x7  }
0x1e: {  	[tilespmem:v2+s7+$0x0] =	vst.idx.add.f32.msk $0xffff, v1  }
0x1f: {  	v2 =	vld [tilespmem:s13+$0x40];
	_ =	sdelay $0x7  }
0x20: {  	[tilespmem:v2+s7+$0x0] =	vst.idx.add.f32.msk $0xffff, v1  }
0x21: {  	v2 =	vld [tilespmem:s13+$0x50];
	_ =	sdelay $0x7  }
0x22: {  	[tilespmem:v2+s7+$0x0] =	vst.idx.add.f32.msk $0xffff, v1  }
0x23: {  	v2 =	vld [tilespmem:s13+$0x60];
	_ =	sdelay $0x7  }
0x24: {  	[tilespmem:v2+s7+$0x0] =	vst.idx.add.f32.msk $0xffff, v1  }
0x25: {  	v2 =	vld [tilespmem:s13+$0x70];
	_ =	sdelay $0x2  }
0x26: {  	p0 =	sne.s32 s12, $0x9C00  }
.Ltmp1:
0x27: {  	_ = 	snop;
	(pc) =	sbr.rel @p0 .LBB2_4-.Ltmp1, $2  }
0x28: {  	_ =	sdelay $0x2  }
0x29: {  	s12 =	sadd.s32 $0x200, s12;
	[tilespmem:v2+s7+$0x0] =	vst.idx.add.f32.msk $0xffff, v1  }
0x2a: {  	s11 =	sadd.s32 $0x1, s11  }
0x2b: {  	p0 =	sne.s32 s11, s5  }
.Ltmp2:
0x2c: {  	_ = 	snop;
	(pc) =	sbr.rel @p0 .LBB2_1-.Ltmp2, $4  }
0x2d: {  	[hbm4b:s4+s8] =	stream.strided.scatter [tilespmem:s7], [sflag:$0x2], $0x2780, s9, s8, $0x38;
	[tilespmem:$0x4F80] =	vst v63  }
0x2e: {  	_ =	swait.ge [sflag:s10], $0x2780  }
0x2f: {  	[sflag:s10] =	ssyncset.done $0x0  }
0x30: {  	[sflag:s10] =	ssyncadd.s32 $0xFFFFD880  }
0x31: {  	_ =	sfence.sel $0x180000  }
0x32: {  	[bflag:$0x0] =	sbarrier.arrive $0xFFFF  }
0x33: {  	p0 =	sne.s32 s0, $0x0;
	_ =	strace $0x9000004A  }
0x34: {  	s0 =	sadd.s32 @!p0 $0x100000, s1;
	[bflag:$0x2] =	sbarrier.arrive $0xFFFF  }
0x35: {  	[sflag:s0] =	ssyncadd.tile.s32 @!p0 $0x1;
	_ =	shalt  }
.Lfunc_end2:
_tile_overlayer_lowered:
.L_overlay_start_2:
0x36: {  	(tag) =	ssettag $0x2  }
0x37: {  	s0 =	rddreg [dreg:$0x0];
	s2 =	stileid.u32  }
0x38: {  	s1 =	rddreg [dreg:$0x1];
	p0 =	sne.s32 s2, $0x0  }
0x39: {  	s3 =	rddreg [dreg:$0x2];
	[bflag:$0x3] =	sbarrier.arrive $0xFFFF;
	s2 =	simm.s32 @!p0 $0x1C02  }
0x3a: {  	[timem:s3], [sflag:s2] =	dma.local @!p0 [hbm:s0], s1  }
0x3b: {  	s0 =	simm.s32 @!p0 $0x2  }
0x3c: {  	_ =	swait.ge @!p0 [sflag:s0], s1  }
0x3d: {  	s1 =	ssub.s32 @!p0 $0x0, s1;
	[sflag:s0] =	ssyncset.done @!p0 $0x0  }
0x3e: {  	[sflag:s0] =	ssyncadd.s32 @!p0 s1  }
0x3f: {  	[bflag:$0x3] =	sbarrier.arrive $0xFFFF  }
0x40: {  	_ =	shalt  }

// kernel: kernel.9.cloned.1.call-start
scs
__scs_entry_jumppad:
0x0: {  	(pc) =	sbr.rel $0x88, $3  }
0x1: {  	(tag) =	ssettag $0x0;
	lr =	simm.s32 $0x1  }
0x2: {  	[smem:$0x3F9F] =	sst lr;
	_ =	strace $0xD0000000  }
0x3: {  	_ = 	snop  }
0x4: {  	_ = 	snop  }
0x5: {  	_ = 	snop  }
0x6: {  	_ = 	snop  }
0x7: {  	_ = 	snop  }
__scs_overlays_trampoline_lowered:
0x8: {  	[smem:$0x3FAE] =	sst s0  }
0x9: {  	[smem:$0x3FAF] =	sst s1  }
0xa: {  	[smem:$0x3FB0] =	sst s2  }
0xb: {  	[smem:$0x3FB1] =	sst s3  }
0xc: {  	[smem:$0x3FB2] =	sst s4  }
0xd: {  	[smem:$0x3FB3] =	sst s5  }
0xe: {  	[smem:$0x3FB4] =	sst s6  }
0xf: {  	[smem:$0x3FB5] =	sst s7  }
0x10: {  	[smem:$0x3FB6] =	sst s8  }
0x11: {  	[smem:$0x3FB7] =	sst s9;
	s0 =	simm.s32 @!p0 $0x0  }
0x12: {  	s1 =	sld [smem:$0x3F9D];
	s0 =	simm.s32 @p0 $0x1  }
0x13: {  	[smem:$0x3FB8] =	sst s0;
	s0 =	simm.s32 @!p1 $0x0  }
0x14: {  	s2 =	sld [smem:$0x3F9C];
	s0 =	simm.s32 @p1 $0x1  }
0x15: {  	[smem:$0x3FB9] =	sst s0;
	s0 =	simm.s32 @!p2 $0x0  }
0x16: {  	s3 =	sld [smem:$0x3FDB];
	s0 =	simm.s32 @p2 $0x1  }
0x17: {  	s4 =	simm.s32 $0x1BF5;
	[smem:$0x3FBB] =	sst s0  }
0x18: {  	s0 =	sld [smem:$0x3F9E];
	_ =	swait.ge [sflag:s4], $0x0  }
0x19: {  	s7 =	sld [smem:$0x3F9F]  }
0x1a: {  	s8 =	sadd.s32 $0xFFFFE003, lr  }
0x1b: {  	s9 =	sadd.s32 $0xFFFFFEF7, lr;
	s5 =	simm.s32 $0xFFFFFFFF;
	p2 =	slt.u32 s8, $0xFFFFF086  }
0x1c: {  	p1 =	slt.u32 s9, $0xF7A;
	s5 =	simm.s32 @!p2 $0x0  }
0x1d: {  	s5 =	simm.s32 @p1 $0x1;
	p0 =	seq.s32 s7, s2  }
0x1e: {  	s7 =	smul.u32 @!p0 $0xF7A, s2;
	p2 =	seq.s32 @!p0 s5, $0x0  }
0x1f: {  	s9 =	smul.u32 $0xF7A, s1;
	s8 =	simm.s32 @!p0 $0x1BF5;
	p2 =	por !p2, p0  }
0x20: {  	[sflag:s8] =	ssyncset.s32 @!p0 $0xFFFFF086;
	s6 =	sadd.s32 @!p0 s3, s7;
	s7 =	simm.s32 @!p0 $0x108  }
0x21: {  	s3 =	sadd.s32 s3, s9;
	s6 =	sadd.s32 @!p0 $0x88, s6;
	s7 =	simm.s32 @p2 $0x1082  }
0x22: {  	[simem:s7], [sflag:s8] =	dma.local @!p0 [hbm:s6], $0xF7A  }
0x23: {  	s9 =	sor.u32 $0xD0000000, s2;
	s6 =	simm.s32 $0x108;
	_ =	swait.ge @!p0 [sflag:s8], $0x0  }
0x24: {  	s3 =	sadd.s32 $0x88, s3;
	s6 =	simm.s32 @!p1 $0x1082;
	[sflag:s4] =	ssyncset.s32 $0xFFFFF086  }
0x25: {  	[simem:s6], [sflag:s4] =	dma.local [hbm:s3], $0xF7A  }
0x26: {  	[smem:$0x3F9F] =	sst s1;
	(tag) =	ssettag s2;
	_ =	strace s9  }
0x27: {  	s1 =	sld [smem:$0x3FAF]  }
0x28: {  	s2 =	sld [smem:$0x3FB0]  }
0x29: {  	s4 =	sld [smem:$0x3FB2]  }
0x2a: {  	p0 =	seq.s32 s5, $0x0;
	s5 =	sld [smem:$0x3FB3]  }
0x2b: {  	s6 =	sld [smem:$0x3FB4]  }
0x2c: {  	s7 =	sld [smem:$0x3FB5]  }
0x2d: {  	s3 =	simm.s32 $0x108;
	s8 =	sld [smem:$0x3FB6]  }
0x2e: {  	s3 =	simm.s32 @!p0 $0x1082;
	s9 =	sld [smem:$0x3FB7]  }
0x2f: {  	lr =	sadd.s32 s0, s3;
	s0 =	sld [smem:$0x3FAE]  }
0x30: {  	s3 =	sld [smem:$0x3FB1]  }
0x31: {  	[smem:$0x3FBA] =	sst s10  }
0x32: {  	s10 =	sld [smem:$0x3FB8];
	_ =	sdelay $0x3  }
0x33: {  	p0 =	seq.s32 s10, $0x1;
	s10 =	sld [smem:$0x3FBA];
	_ =	sdelay $0x3  }
0x34: {  	[smem:$0x3FBA] =	sst s10  }
0x35: {  	s10 =	sld [smem:$0x3FB9];
	_ =	sdelay $0x3  }
0x36: {  	p1 =	seq.s32 s10, $0x1;
	s10 =	sld [smem:$0x3FBA];
	_ =	sdelay $0x3  }
0x37: {  	[smem:$0x3FBA] =	sst s10  }
0x38: {  	s10 =	sld [smem:$0x3FBB]  }
0x39: {  	_ = 	snop;
	(pc) =	sbr.ind lr, $3  }
0x3a: {  	_ = 	snop  }
0x3b: {  	_ = 	snop  }
0x3c: {  	p2 =	seq.s32 s10, $0x1;
	s10 =	sld [smem:$0x3FBA]  }
0x3d: {  	_ =	shalt  }
0x3e: {  	_ =	shalt  }
0x3f: {  	_ =	shalt  }
0x40: {  	_ =	shalt  }
0x41: {  	_ =	shalt  }
0x42: {  	_ =	shalt  }
0x43: {  	_ =	shalt  }
0x44: {  	_ =	shalt  }
0x45: {  	_ =	shalt  }
0x46: {  	_ =	shalt  }
0x47: {  	_ =	shalt  }
0x48: {  	_ =	shalt  }
0x49: {  	_ =	shalt  }
0x4a: {  	_ =	shalt  }
0x4b: {  	_ =	shalt  }
0x4c: {  	_ =	shalt  }
0x4d: {  	_ =	shalt  }
0x4e: {  	_ =	shalt  }
0x4f: {  	_ =	shalt  }
0x50: {  	_ =	shalt  }
0x51: {  	_ =	shalt  }
0x52: {  	_ =	shalt  }
0x53: {  	_ =	shalt  }
0x54: {  	_ =	shalt  }
0x55: {  	_ =	shalt  }
0x56: {  	_ =	shalt  }
0x57: {  	_ =	shalt  }
0x58: {  	_ =	shalt  }
0x59: {  	_ =	shalt  }
0x5a: {  	_ =	shalt  }
0x5b: {  	_ =	shalt  }
0x5c: {  	_ =	shalt  }
0x5d: {  	_ =	shalt  }
0x5e: {  	_ =	shalt  }
0x5f: {  	_ =	shalt  }
0x60: {  	_ =	shalt  }
0x61: {  	_ =	shalt  }
0x62: {  	_ =	shalt  }
0x63: {  	_ =	shalt  }
0x64: {  	_ =	shalt  }
0x65: {  	_ =	shalt  }
0x66: {  	_ =	shalt  }
0x67: {  	_ =	shalt  }
0x68: {  	_ =	shalt  }
0x69: {  	_ =	shalt  }
0x6a: {  	_ =	shalt  }
0x6b: {  	_ =	shalt  }
0x6c: {  	_ =	shalt  }
0x6d: {  	_ =	shalt  }
0x6e: {  	_ =	shalt  }
0x6f: {  	_ =	shalt  }
0x70: {  	_ =	shalt  }
0x71: {  	_ =	shalt  }
0x72: {  	_ =	shalt  }
0x73: {  	_ =	shalt  }
0x74: {  	_ =	shalt  }
0x75: {  	_ =	shalt  }
0x76: {  	_ =	shalt  }
0x77: {  	_ =	shalt  }
0x78: {  	_ =	shalt  }
0x79: {  	_ =	shalt  }
0x7a: {  	_ =	shalt  }
0x7b: {  	_ =	shalt  }
0x7c: {  	_ =	shalt  }
0x7d: {  	_ =	shalt  }
0x7e: {  	_ =	shalt  }
0x7f: {  	_ =	shalt  }
0x80: {  	_ =	shalt  }
0x81: {  	_ =	shalt  }
0x82: {  	_ =	shalt  }
0x83: {  	_ =	shalt  }
0x84: {  	_ =	shalt  }
0x85: {  	_ =	shalt  }
0x86: {  	_ =	shalt  }
0x87: {  	_ =	shalt  }
.Lfunc_end0:
.L_simem_size_0:
called_computation.1_lowered:
.L_overlay_start_0:
0x88: {  	s2 =	sld [smem:$0x3FD9]  }
0x89: {  	s3 =	sld [smem:$0x3FFE];
	_ =	sdelay $0x1  }
0x8a: {  	s1 =	srdreg.scid  }
0x8b: {  	s0 =	sand.u32 $0x1, s1  }
0x8c: {  	s16 =	sshll.u32 s0, $0xA;
	s2 =	sadd.s32 s3, s2  }
0x8d: {  	s2 =	sadd.s32 s2, s16  }
0x8e: {  	[smem:$0x3FC6] =	sst s2  }
0x8f: {  	_ = 	snop  }
0x90: {  	(tm) =	ssettm $0x1  }
0x91: {  	s17 =	sld [smem:$0x3FFB];
	_ =	sdelay $0x3  }
0x92: {  	_ =	strace s17  }
0x93: {  	s2 =	sld [smem:$0x3FFC];
	_ =	sdelay $0x3  }
0x94: {  	_ =	strace s2  }
0x95: {  	s2 =	sld [smem:$0x3FFD];
	_ =	sdelay $0x3  }
0x96: {  	_ =	strace s2  }
0x97: {  	_ =	strace $0x8FFFFFFF  }
0x98: {  	s18 =	sld [smem:$0x3FDB];
	_ =	sdelay $0x1  }
0x99: {  	s19 =	simm.s32 $_scs_section_size  }
0x9a: {  	s4 =	simm.s32 $_size__tile_overlayer_lowered;
	s5 =	simm.s32 $_tile_overlayer_lowered  }
0x9b: {  	s22 =	simm.s32 $0x1BFF;
	s21 =	sshll.u32 s5, $0x1;
	s2 =	sadd.s32 s19, s18  }
0x9c: {  	s6 =	simm.s32 $0x0;
	s20 =	sshll.u32 s4, $0x1;
	s4 =	sadd.s32 s21, s2  }
0x9d: {  	[timem:s6], [sflag:s22] =	dma.local [hbm:s4], s20  }
0x9e: {  	_ =	swait.ge [sflag:s22], s20  }
0x9f: {  	s3 =	ssub.s32 $0x0, s20;
	[sflag:s22] =	ssyncset.done $0x0  }
0xa0: {  	[sflag:s22] =	ssyncadd.s32 s3;
	_ =	sdelay $0x1  }
0xa1: {  	s23 =	simm.s32 $0x1B8B  }
0xa2: {  	_ =	swait.ge [sflag:s23], $0x1  }
0xa3: {  	[sflag:s23] =	ssyncset.done $0x0  }
0xa4: {  	s25 =	simm.s32 $0x1B8E;
	s24 =	sld [smem:$0x3FFE];
	[sflag:s23] =	ssyncadd.s32 $0xFFFFFFFF  }
0xa5: {  	s26 =	simm.s32 $execute0_lowered;
	[smem:$0x3FD2] =	sst s25  }
0xa6: {  	s4 =	sshll.u32 s26, $0x1;
	_ =	strace $0x80000046;
	[dreg:$0x1] =	wrdreg $0xFFFFFFFF  }
0xa7: {  	s28 =	simm.s32 $_size_execute0_lowered;
	s2 =	sadd.s32 s2, s4;
	[dreg:$0x0] =	wrdreg $0x0  }
0xa8: {  	s4 =	sshll.u32 s28, $0x1;
	[dreg:$0x2] =	wrdreg s2  }
0xa9: {  	[dreg:$0x3] =	wrdreg s4  }
0xaa: {  	[dreg:$0x4] =	wrdreg $0xC0  }
0xab: {  	_ =	task [dreg:s6], $0x5FFFF  }
0xac: {  	[dreg:$0x1] =	wrdreg $0xFFFFFFFF  }
0xad: {  	[dreg:$0x0] =	wrdreg $0x60  }
0xae: {  	[dreg:$0x2] =	wrdreg s24  }
0xaf: {  	[dreg:$0x3] =	wrdreg $0xA9000  }
0xb0: {  	[dreg:$0x4] =	wrdreg $0xA  }
0xb1: {  	_ =	task.clear_ibuf [dreg:s6], $0x5FFFF;
	_ =	strace $0x90000046  }
0xb2: {  	s29 =	simm.s32 $0xA;
	_ =	strace $0x80000048  }
0xb3: {  	_ =	swait.ge [sflag:s29], $0x1  }
0xb4: {  	[sflag:s29] =	ssyncadd.s32 $0xFFFFFFFF  }
0xb5: {  	_ =	strace $0x90000048  }
0xb6: {  	_ =	sfence  }
0xb7: {  	s30 =	sld [smem:$0x0];
	_ =	sdelay $0x2  }
0xb8: {  	s31 =	sshll.u32 s1, $0xD;
	s1 =	sshrl.u32 s1, $0x2  }
0xb9: {  	s3 =	sand.u32 $0x4000, s31;
	s1 =	sadd.s32 s1, s30  }
0xba: {  	s0 =	sor.u32 s3, s0;
	s1 =	sshll.u32 s1, $0x11  }
0xbb: {  	s0 =	sor.u32 s1, s0  }
0xbc: {  	s0 =	sadd.s32 $0x8F2B, s0  }
0xbd: {  	[sflag:s0] =	ssyncadd.remote.s32 $0x1  }
0xbe: {  	_ =	sfence.sel $0xFFFF  }
0xbf: {  	[dreg:$0x0] =	wrdreg $0xFFFFFFFF;
	(pc) =	sbr.abs _section_cstart, $3  }
0xc0: {  	[dreg:$0x1] =	wrdreg $0xFFFFFFFF  }
0xc1: {  	_ =	task.clear_ibuf [dreg:s6], $0x2FFFF;
	_ =	strace $0x9FFFFFFF  }
0xc2: {  	(tm) =	ssettm $0x7FFFFFFF  }
0xc3: {  	_ =	shalt  }
tec
execute0_lowered:
.L_overlay_start_1:
0x0: {  	(tag) =	ssettag $0x1  }
0x1: {  	s1 =	rddreg [dreg:$0x0];
	s3 =	srdreg.scid  }
0x2: {  	s0 =	stileid.u32;
	s2 =	rddreg [dreg:$0x1]  }
0x3: {  	s13 =	simm.s32 $0x2800;
	s14 =	simm.s32 $0x2880;
	s16 =	simm.s32 $0x5  }
0x4: {  	s17 =	simm.s32 $0x1;
	s18 =	simm.s32 $0x80;
	s19 =	simm.s32 $0x2900  }
0x5: {  	s20 =	simm.s32 $0x6900;
	s21 =	simm.s32 $0x3;
	s22 =	simm.s32 $0x2  }
0x6: {  	s23 =	simm.s32 $0x4;
	s28 =	simm.s32 $0x0;
	s5 =	sand.u32 $0x1, s3  }
0x7: {  	s4 =	sshll.u32 s0, $0x1;
	s3 =	simm.s32 $0x0;
	s24 =	smul.u32 $0x2780, s0  }
0x8: {  	s8 =	smul.u32 $0x4F000, s0;
	s11 =	sshll.u32 s0, $0x6;
	s4 =	sor.u32 s5, s4  }
0x9: {  	[smem:$0x7FF] =	sst s3;
	s7 =	smul.u32 $0x27800, s5;
	s5 =	ssub.s32 $0x2, s5  }
0xa: {  	s6 =	smul.u32 $0x500, s4;
	_ =	strace $0x80000047;
	s4 =	sadd.s32 $0x14A00, s1  }
0xb: {  	s31 =	sshrl.u32 s5, $0x1;
	s9 =	sadd.s32 s24, s1;
	s8 =	sshrl.u32 s8, $0x2  }
0xc: {  	s10 =	ssub.s32 s5, s31;
	s15 =	sadd.s32 s8, s2;
	s8 =	sadd.s32 $0x3BC00, s9  }
0xd: {  	s9 =	sor.u32 $0x1C05, s11;
	s12 =	sadd.s32 s6, s1;
	s1 =	sadd.s32 s7, s1  }
0xe: {  	s10 =	smax.u32 s10, $0x1;
	s15 =	sshrl.u32 s15, $0x3;
	s5 =	sadd.s32 $0xAA00, s12  }
0xf: {  	s6 =	sadd.s32 $0xA00, s12;
	s7 =	sadd.s32 $0xA10, s12;
	s1 =	sadd.s32 $0x63400, s1  }
0x10: {  	s11 =	sadd.s32 $0xEE0, s12;
	s12 =	sadd.s32 $0xA30, s12;
	s24 =	sadd.s32 s24, s1  }
.LBB2_1:
0x11: {  	[tilespmem:s3], [sflag:$0x1] =	stream.linear.gather [hbm4b:s5+s3], $0x2780, $0x38;
	[tilespmem:$0x1E500] =	vst v63  }
0x12: {  	_ = 	snop  }
0x13: {  	[tilespmem:s13], [sflag:$0x3] =	stream.linear.gather [hbm4b:s6+s3], $0x80, $0x38;
	[tilespmem:$0x1E500] =	vst v63  }
0x14: {  	_ = 	snop  }
0x15: {  	[tilespmem:s14], [sflag:$0x4] =	stream.linear.gather [hbm4b:s7+s3], $0x80, $0x38;
	[tilespmem:$0x1E500] =	vst v63  }
0x16: {  	[spmem:s15], [sflag:s9] =	dma.local [hbm:s8], $0x2780  }
0x17: {  	_ =	swait.ge [sflag:s16], $0x2780  }
0x18: {  	[sflag:s16] =	ssyncset.done $0x0  }
0x19: {  	[sflag:s16] =	ssyncadd.s32 $0xFFFFD880  }
0x1a: {  	_ =	swait.ge [sflag:s17], $0x2780  }
0x1b: {  	[sflag:s17] =	ssyncset.done $0x0  }
0x1c: {  	[sflag:s17] =	ssyncadd.s32 $0xFFFFD880  }
0x1d: {  	[bflag:$0x0] =	sbarrier.arrive $0xFFFF  }
0x1e: {  	[tilespmem:s19], [sflag:$0x1] =	stream.indirect.gather [hbm4b:s4+s18], $0x80, s3, s18, $0xb8;
	[tilespmem:$0x1E500] =	vst v63  }
0x1f: {  	s1 =	simm.s32 $0x80  }
0x20: {  	[tilespmem:s20], [sflag:$0x2] =	stream.indirect.gather [hbm4b:s4+s18], $0x80, s1, s18, $0xb8;
	[tilespmem:$0x1E500] =	vst v63  }
0x21: {  	_ =	swait.ge [sflag:s17], $0x4000  }
0x22: {  	[sflag:s17] =	ssyncset.done $0x0  }
0x23: {  	[sflag:s17] =	ssyncadd.s32 $0xFFFFC000  }
0x24: {  	_ =	swait.ge [sflag:s21], $0x80  }
0x25: {  	[sflag:s21] =	ssyncset.done $0x0  }
0x26: {  	[sflag:s21] =	ssyncadd.s32 $0xFFFFFF80  }
0x27: {  	[spmem:s2] =	stream.indirect.scatter.add.f32 [tilespmem:s19], [sflag:$0x5], $0x80, s13, s18, $0xb8;
	[tilespmem:$0x1E500] =	vst v63  }
0x28: {  	_ =	swait.ge [sflag:s16], $0x4000  }
0x29: {  	[sflag:s16] =	ssyncset.done $0x0  }
0x2a: {  	s25 =	sadd.s32 $0xFFFFFFF0, s12;
	[sflag:s16] =	ssyncadd.s32 $0xFFFFC000  }
0x2b: {  	[tilespmem:s13], [sflag:$0x3] =	stream.linear.gather [hbm4b:s25+s3], $0x80, $0x38;
	[tilespmem:$0x1E500] =	vst v63  }
0x2c: {  	s26 =	simm.s32 $0x100  }
0x2d: {  	[tilespmem:s19], [sflag:$0x1] =	stream.indirect.gather [hbm4b:s4+s18], $0x80, s26, s18, $0xb8;
	[tilespmem:$0x1E500] =	vst v63  }
0x2e: {  	_ =	swait.ge [sflag:s22], $0x4000  }
0x2f: {  	[sflag:s22] =	ssyncset.done $0x0  }
0x30: {  	[sflag:s22] =	ssyncadd.s32 $0xFFFFC000  }
0x31: {  	_ =	swait.ge [sflag:s23], $0x80  }
0x32: {  	[sflag:s23] =	ssyncset.done $0x0  }
0x33: {  	[sflag:s23] =	ssyncadd.s32 $0xFFFFFF80  }
0x34: {  	[spmem:s2] =	stream.indirect.scatter.add.f32 [tilespmem:s20], [sflag:$0x5], $0x80, s14, s18, $0xb8;
	[tilespmem:$0x1E500] =	vst v63  }
0x35: {  	_ =	swait.ge [sflag:s16], $0x4000  }
0x36: {  	s30 =	simm.s32 $0xFFFFDB00;
	s29 =	sadd.s32 $0x20, s12;
	[sflag:s16] =	ssyncset.done $0x0  }
0x37: {  	s31 =	smov.u32 s12;
	s1 =	simm.s32 $0xFFFF7000;
	[sflag:s16] =	ssyncadd.s32 $0xFFFFC000  }
.LBB2_2:
0x38: {  	[tilespmem:s14], [sflag:$0x4] =	stream.linear.gather [hbm4b:s31+s3], $0x80, $0x38;
	[tilespmem:$0x1E500] =	vst v63  }
0x39: {  	s0 =	smov.u32 s1;
	s31 =	smov.u32 s29  }
0x3a: {  	s25 =	sadd.s32 $0x400, s1;
	s26 =	sadd.s32 $0x2680, s30;
	s0 =	sshra.s32 s0, $0x2  }
0x3b: {  	[tilespmem:s20], [sflag:$0x2] =	stream.indirect.gather [hbm4b:s4+s18], $0x80, s26, s18, $0xb8;
	[tilespmem:$0x1E500] =	vst v63  }
0x3c: {  	p0 =	sne.s32 s1, $0xFFFFFC00;
	_ =	swait.ge [sflag:s17], $0x4000  }
0x3d: {  	[sflag:s17] =	ssyncset.done $0x0  }
0x3e: {  	[sflag:s17] =	ssyncadd.s32 $0xFFFFC000  }
0x3f: {  	_ =	swait.ge [sflag:s21], $0x80  }
0x40: {  	[sflag:s21] =	ssyncset.done $0x0  }
0x41: {  	[sflag:s21] =	ssyncadd.s32 $0xFFFFFF80  }
0x42: {  	[spmem:s2] =	stream.indirect.scatter.add.f32 [tilespmem:s19], [sflag:$0x5], $0x80, s13, s18, $0xb8;
	[tilespmem:$0x1E500] =	vst v63  }
0x43: {  	_ =	swait.ge [sflag:s16], $0x4000  }
0x44: {  	[sflag:s16] =	ssyncset.done $0x0  }
0x45: {  	s1 =	sadd.s32 $0xFFFFFFF0, s29;
	[sflag:s16] =	ssyncadd.s32 $0xFFFFC000  }
0x46: {  	[tilespmem:s13], [sflag:$0x3] =	stream.linear.gather [hbm4b:s1+s3], $0x80, $0x38;
	[tilespmem:$0x1E500] =	vst v63  }
0x47: {  	s1 =	sadd.s32 $0x2700, s30;
	s30 =	smov.u32 s0  }
0x48: {  	[tilespmem:s19], [sflag:$0x1] =	stream.indirect.gather [hbm4b:s4+s18], $0x80, s1, s18, $0xb8;
	[tilespmem:$0x1E500] =	vst v63  }
0x49: {  	_ =	swait.ge [sflag:s22], $0x4000  }
0x4a: {  	[sflag:s22] =	ssyncset.done $0x0  }
0x4b: {  	[sflag:s22] =	ssyncadd.s32 $0xFFFFC000  }
0x4c: {  	_ =	swait.ge [sflag:s23], $0x80  }
0x4d: {  	[sflag:s23] =	ssyncset.done $0x0  }
.Ltmp0:
0x4e: {  	[sflag:s23] =	ssyncadd.s32 $0xFFFFFF80;
	(pc) =	sbr.rel @p0 .LBB2_2-.Ltmp0, $4  }
0x4f: {  	[spmem:s2] =	stream.indirect.scatter.add.f32 [tilespmem:s20], [sflag:$0x5], $0x80, s14, s18, $0xb8;
	[tilespmem:$0x1E500] =	vst v63  }
0x50: {  	_ =	swait.ge [sflag:s16], $0x4000  }
0x51: {  	[sflag:s16] =	ssyncset.done $0x0  }
0x52: {  	s29 =	sadd.s32 $0x20, s29;
	s1 =	smov.u32 s25;
	[sflag:s16] =	ssyncadd.s32 $0xFFFFC000  }
0x53: {  	[tilespmem:s14], [sflag:$0x4] =	stream.linear.gather [hbm4b:s31+s3], $0x80, $0x38;
	[tilespmem:$0x1E500] =	vst v63  }
0x54: {  	s0 =	sadd.s32 $0x2680, s30  }
0x55: {  	[tilespmem:s20], [sflag:$0x2] =	stream.indirect.gather [hbm4b:s4+s18], $0x80, s0, s18, $0xb8;
	[tilespmem:$0x1E500] =	vst v63  }
0x56: {  	_ =	swait.ge [sflag:s17], $0x4000  }
0x57: {  	[sflag:s17] =	ssyncset.done $0x0  }
0x58: {  	[sflag:s17] =	ssyncadd.s32 $0xFFFFC000  }
0x59: {  	_ =	swait.ge [sflag:s21], $0x80  }
0x5a: {  	[sflag:s21] =	ssyncset.done $0x0  }
0x5b: {  	[sflag:s21] =	ssyncadd.s32 $0xFFFFFF80  }
0x5c: {  	[spmem:s2] =	stream.indirect.scatter.add.f32 [tilespmem:s19], [sflag:$0x5], $0x80, s13, s18, $0xb8;
	[tilespmem:$0x1E500] =	vst v63  }
0x5d: {  	_ =	swait.ge [sflag:s16], $0x4000  }
0x5e: {  	[sflag:s16] =	ssyncset.done $0x0  }
0x5f: {  	s25 =	sadd.s32 $0xFFFFFFF0, s29;
	[sflag:s16] =	ssyncadd.s32 $0xFFFFC000  }
0x60: {  	[tilespmem:s13], [sflag:$0x3] =	stream.linear.gather [hbm4b:s25+s3], $0x80, $0x38;
	[tilespmem:$0x1E500] =	vst v63  }
0x61: {  	s26 =	sadd.s32 $0x2700, s30  }
0x62: {  	[tilespmem:s19], [sflag:$0x1] =	stream.indirect.gather [hbm4b:s4+s18], $0x80, s26, s18, $0xb8;
	[tilespmem:$0x1E500] =	vst v63  }
0x63: {  	_ =	swait.ge [sflag:s22], $0x4000  }
0x64: {  	[sflag:s22] =	ssyncset.done $0x0  }
0x65: {  	[sflag:s22] =	ssyncadd.s32 $0xFFFFC000  }
0x66: {  	_ =	swait.ge [sflag:s23], $0x80  }
0x67: {  	[sflag:s23] =	ssyncset.done $0x0  }
0x68: {  	[sflag:s23] =	ssyncadd.s32 $0xFFFFFF80  }
0x69: {  	[spmem:s2] =	stream.indirect.scatter.add.f32 [tilespmem:s20], [sflag:$0x5], $0x80, s14, s18, $0xb8;
	[tilespmem:$0x1E500] =	vst v63  }
0x6a: {  	_ =	swait.ge [sflag:s16], $0x4000  }
0x6b: {  	[sflag:s16] =	ssyncset.done $0x0  }
0x6c: {  	[sflag:s16] =	ssyncadd.s32 $0xFFFFC000  }
0x6d: {  	[tilespmem:s14], [sflag:$0x4] =	stream.linear.gather [hbm4b:s29+s3], $0x80, $0x38;
	[tilespmem:$0x1E500] =	vst v63  }
0x6e: {  	s30 =	simm.s32 $0x2680  }
0x6f: {  	[tilespmem:s20], [sflag:$0x2] =	stream.indirect.gather [hbm4b:s4+s18], $0x80, s30, s18, $0xb8;
	[tilespmem:$0x1E500] =	vst v63  }
0x70: {  	_ =	swait.ge [sflag:s17], $0x4000  }
0x71: {  	[sflag:s17] =	ssyncset.done $0x0  }
0x72: {  	[sflag:s17] =	ssyncadd.s32 $0xFFFFC000  }
0x73: {  	_ =	swait.ge [sflag:s21], $0x80  }
0x74: {  	[sflag:s21] =	ssyncset.done $0x0  }
0x75: {  	[sflag:s21] =	ssyncadd.s32 $0xFFFFFF80  }
0x76: {  	[spmem:s2] =	stream.indirect.scatter.add.f32 [tilespmem:s19], [sflag:$0x5], $0x80, s13, s18, $0xb8;
	[tilespmem:$0x1E500] =	vst v63  }
0x77: {  	_ =	swait.ge [sflag:s16], $0x4000  }
0x78: {  	[sflag:s16] =	ssyncset.done $0x0  }
0x79: {  	[sflag:s16] =	ssyncadd.s32 $0xFFFFC000  }
0x7a: {  	[tilespmem:s13], [sflag:$0x3] =	stream.linear.gather [hbm4b:s11+s3], $0x80, $0x38;
	[tilespmem:$0x1E500] =	vst v63  }
0x7b: {  	s31 =	simm.s32 $0x2700  }
0x7c: {  	[tilespmem:s19], [sflag:$0x1] =	stream.indirect.gather [hbm4b:s4+s18], $0x80, s31, s18, $0xb8;
	[tilespmem:$0x1E500] =	vst v63  }
0x7d: {  	_ =	swait.ge [sflag:s22], $0x4000  }
0x7e: {  	[sflag:s22] =	ssyncset.done $0x0  }
0x7f: {  	[sflag:s22] =	ssyncadd.s32 $0xFFFFC000  }
0x80: {  	_ =	swait.ge [sflag:s23], $0x80  }
0x81: {  	[sflag:s23] =	ssyncset.done $0x0  }
0x82: {  	[sflag:s23] =	ssyncadd.s32 $0xFFFFFF80  }
0x83: {  	[spmem:s2] =	stream.indirect.scatter.add.f32 [tilespmem:s20], [sflag:$0x5], $0x80, s14, s18, $0xb8;
	[tilespmem:$0x1E500] =	vst v63  }
0x84: {  	_ =	swait.ge [sflag:s16], $0x4000  }
0x85: {  	[sflag:s16] =	ssyncset.done $0x0  }
0x86: {  	[sflag:s16] =	ssyncadd.s32 $0xFFFFC000  }
0x87: {  	[tilespmem:s14], [sflag:$0x4] =	stream.linear.gather [hbm4b:s11+s3], $0x80, $0x38;
	[tilespmem:$0x1E500] =	vst v63  }
0x88: {  	_ =	swait.ge [sflag:s17], $0x4000  }
0x89: {  	[sflag:s17] =	ssyncset.done $0x0  }
0x8a: {  	[sflag:s17] =	ssyncadd.s32 $0xFFFFC000  }
0x8b: {  	_ =	swait.ge [sflag:s21], $0x80  }
0x8c: {  	[sflag:s21] =	ssyncset.done $0x0  }
0x8d: {  	[sflag:s21] =	ssyncadd.s32 $0xFFFFFF80  }
0x8e: {  	[spmem:s2] =	stream.indirect.scatter.add.f32 [tilespmem:s19], [sflag:$0x5], $0x80, s13, s18, $0xb8;
	[tilespmem:$0x1E500] =	vst v63  }
0x8f: {  	_ =	swait.ge [sflag:s16], $0x4000  }
0x90: {  	[sflag:s16] =	ssyncset.done $0x0  }
0x91: {  	[sflag:s16] =	ssyncadd.s32 $0xFFFFC000  }
0x92: {  	_ =	swait.ge [sflag:s23], $0x80  }
0x93: {  	s28 =	sadd.s32 $0x1, s28;
	[sflag:s23] =	ssyncset.done $0x0  }
0x94: {  	p0 =	sne.s32 s28, s10;
	[sflag:s23] =	ssyncadd.s32 $0xFFFFFF80  }
.Ltmp1:
0x95: {  	[bflag:$0x0] =	sbarrier.arrive $0xFFFF;
	(pc) =	sbr.rel @p0 .LBB2_1-.Ltmp1, $4  }
0x96: {  	[hbm:s24], [sflag:s9] =	dma.local [spmem:s15], $0x2780  }
0x97: {  	_ =	swait.ge [sflag:s16], $0x2780  }
0x98: {  	[sflag:s16] =	ssyncset.done $0x0  }
0x99: {  	[sflag:s16] =	ssyncadd.s32 $0xFFFFD880  }
0x9a: {  	_ =	sfence.sel $0x180000  }
0x9b: {  	[bflag:$0x0] =	sbarrier.arrive $0xFFFF  }
0x9c: {  	_ =	strace $0x90000047  }
0x9d: {  	s0 =	stileid.u32;
	[bflag:$0x2] =	sbarrier.arrive $0xFFFF  }
0x9e: {  	p0 =	sne.s32 s0, $0x0;
	s0 =	rddreg [dreg:$0x2]  }
0x9f: {  	s0 =	sadd.s32 @!p0 $0x100000, s0  }
0xa0: {  	[sflag:s0] =	ssyncadd.tile.s32 @!p0 $0x1;
	_ =	shalt  }
.Lfunc_end2:
_tile_overlayer_lowered:
.L_overlay_start_2:
0xa1: {  	(tag) =	ssettag $0x2  }
0xa2: {  	s0 =	rddreg [dreg:$0x0];
	s2 =	stileid.u32  }
0xa3: {  	s1 =	rddreg [dreg:$0x1];
	p0 =	sne.s32 s2, $0x0  }
0xa4: {  	s3 =	rddreg [dreg:$0x2];
	[bflag:$0x3] =	sbarrier.arrive $0xFFFF;
	s2 =	simm.s32 @!p0 $0x1C05  }
0xa5: {  	[timem:s3], [sflag:s2] =	dma.local @!p0 [hbm:s0], s1  }
0xa6: {  	s0 =	simm.s32 @!p0 $0x5  }
0xa7: {  	_ =	swait.ge @!p0 [sflag:s0], s1  }
0xa8: {  	s1 =	ssub.s32 @!p0 $0x0, s1;
	[sflag:s0] =	ssyncset.done @!p0 $0x0  }
0xa9: {  	[sflag:s0] =	ssyncadd.s32 @!p0 s1  }
0xaa: {  	[bflag:$0x3] =	sbarrier.arrive $0xFFFF  }
0xab: {  	_ =	shalt  }

</sc_bundles>
